<compile_context>
chip_gen: v7x
topology: tpu7x:2x2x1
jax: 0.10.2.dev20260603
libtpu: 0.0.44.dev20260713+nightly
codegen_flags: <defaults>
</compile_context>

<pallas_src>
import functools
import jax
import jax.numpy as jnp
from jax import lax
from jax.experimental import pallas as pl
from jax.experimental.pallas import tpu as pltpu
from jax.experimental.pallas import tpu_sc as plsc

_RES = 1024
_NBINS = _RES * _RES
_MIS_X = 0.001
_MIS_Y = -0.002

_NC = 2
_NS = 16
_NW = _NC * _NS
_NPART = 2000000
_PER_W = 62496
_CHUNK = 2016
_NCHUNK = _PER_W // _CHUNK
_VPC = _CHUNK // 16
_SLAB = _NBINS // _NS
_DUMP = _NBINS


def _edges():
    return jnp.linspace(-_RES * 0.001 / 2, _RES * 0.001 / 2, _RES + 1)


def _sc_hist(parts_flat, edges_pad):
    mesh = plsc.VectorSubcoreMesh(core_axis_name="c", subcore_axis_name="s",
                                  num_cores=_NC, num_subcores=_NS)

    @functools.partial(
        pl.kernel,
        out_type=jax.ShapeDtypeStruct((_NC * _NBINS,), jnp.float32),
        mesh=mesh,
        scratch_types=[
            pltpu.VMEM((_CHUNK * 7,), jnp.float32),
            pltpu.VMEM((_CHUNK * 7,), jnp.float32),
            pltpu.VMEM((1032,), jnp.float32),
            pltpu.VMEM((16, 128), jnp.int32),
            pltpu.VMEM((16, 128), jnp.int32),
            pltpu.VMEM((128,), jnp.float32),
            pltpu.VMEM((4096,), jnp.float32),
            pltpu.VMEM_SHARED((_NBINS + 8,), jnp.float32),
            pltpu.SemaphoreType.DMA,
            pltpu.SemaphoreType.DMA,
            pltpu.SemaphoreType.DMA,
            pltpu.SemaphoreType.DMA,
        ],
        compiler_params=pltpu.CompilerParams(needs_layout_passes=False),
    )
    def hist_kernel(parts_hbm, edges_hbm, out_hbm,
                    pbuf0, pbuf1, ebuf, ibuf0, ibuf1, ones, zbuf, hist_s,
                    sem_in0, sem_in1, sem_sc0, sem_sc1):
        cid = lax.axis_index("c")
        sid = lax.axis_index("s")
        wid = cid * _NS + sid

        iota = lax.iota(jnp.int32, 16)
        iota7 = iota * 7
        zeros_f = jnp.zeros((16,), jnp.float32)
        ones_f = jnp.ones((16,), jnp.float32)
        dump_v = jnp.full((16,), _DUMP, jnp.int32)

        pltpu.sync_copy(edges_hbm, ebuf)

        def oset(v, _):
            ones[pl.ds(v * 16, 16)] = ones_f
            ibuf0[15, pl.ds(96 + v * 16, 16)] = dump_v
            ibuf1[15, pl.ds(96 + v * 16, 16)] = dump_v
            return _
        lax.fori_loop(0, 2, oset, None)

        def oset2(v, _):
            ones[pl.ds(32 + v * 16, 16)] = ones_f
            return _
        lax.fori_loop(0, 6, oset2, None)

        def zset(v, _):
            zbuf[pl.ds(v * 16, 16)] = zeros_f
            return _
        lax.fori_loop(0, 256, zset, None)

        def zcpy(i, _):
            pltpu.sync_copy(zbuf, hist_s.at[pl.ds(sid * _SLAB + i * 4096, 4096)])
            return _
        lax.fori_loop(0, _SLAB // 4096, zcpy, None)

        plsc.subcore_barrier()

        e_lo = jnp.full((16,), jnp.float32(-_RES * 0.001 / 2))
        e_hi = jnp.full((16,), jnp.float32(_RES * 0.001 / 2))

        def bf16_round(vals):
            u = plsc.bitcast(vals, jnp.int32)
            u = u + ((u >> 16) & 1) + jnp.int32(0x7FFF)
            u = u & jnp.int32(-65536)
            return plsc.bitcast(u, jnp.float32)

        def binify(vals, mis):
            p = bf16_round(vals) - jnp.float32(mis)
            inr = (p >= e_lo) & (p <= e_hi)
            t = jnp.clip((p - e_lo) * jnp.float32(1000.0),
                         jnp.float32(0.0), jnp.float32(1023.0))
            j0 = t.astype(jnp.int32)
            ej = plsc.load_gather(ebuf, [j0])
            ej1 = plsc.load_gather(ebuf, [j0 + 1])
            j = j0 + jnp.where(p >= ej1, 1, 0) - jnp.where(p < ej, 1, 0)
            j = jnp.clip(j, 0, _RES - 1)
            return j, inr

        def compute_vreg(pbuf, ibuf, v):
            base7 = v * 112
            xg = plsc.load_gather(pbuf, [base7 + iota7])
            yg = plsc.load_gather(pbuf, [base7 + iota7 + 2])
            jx, inx = binify(xg, _MIS_X)
            jy, iny = binify(yg, _MIS_Y)
            flat = (jnp.int32(_RES - 1) - jy) * _RES + jx
            flat = jnp.where(inx & iny, flat, dump_v)
            ibuf[v >> 3, pl.ds((v & 7) * 16, 16)] = flat

        def in_copy(c, pbuf, sem):
            src = (wid * _PER_W + c * _CHUNK) * 7
            return pltpu.make_async_copy(
                parts_hbm.at[pl.ds(src, _CHUNK * 7)], pbuf, sem)

        in_copy(0, pbuf0, sem_in0).start()
        in_copy(1, pbuf1, sem_in1).start()

        def process(c, pbuf, ibuf, sem_in, sem_sc):
            in_copy(c, pbuf, sem_in).wait()

            def vbody(v, _):
                compute_vreg(pbuf, ibuf, v)
                return _
            lax.fori_loop(0, _VPC, vbody, None)

            @pl.when(c + 2 < _NCHUNK)
            def _():
                in_copy(c + 2, pbuf, sem_in).start()

            def sbody(r, _):
                pltpu.async_copy(ones, hist_s.at[ibuf.at[r]], sem_sc, add=True)
                return _
            lax.fori_loop(0, 16, sbody, None)

        def drain(ibuf, sem_sc):
            def dbody(r, _):
                pltpu.make_async_copy(ones, hist_s.at[ibuf.at[r]], sem_sc).wait()
                return _
            lax.fori_loop(0, 16, dbody, None)

        def chunk_pair(g, _):
            c = g * 2

            @pl.when(g > 0)
            def _():
                drain(ibuf0, sem_sc0)
            process(c, pbuf0, ibuf0, sem_in0, sem_sc0)

            @pl.when(c + 1 < _NCHUNK)
            def _():
                @pl.when(g > 0)
                def _():
                    drain(ibuf1, sem_sc1)
                process(c + 1, pbuf1, ibuf1, sem_in1, sem_sc1)
            return _
        lax.fori_loop(0, (_NCHUNK + 1) // 2, chunk_pair, None)

        drain(ibuf0, sem_sc0)
        drain(ibuf1, sem_sc1)

        @pl.when(wid < 8)
        def _tail():
            src = (_PER_W * _NW + wid * 16) * 7
            pltpu.sync_copy(parts_hbm.at[pl.ds(src, 112)], pbuf0.at[pl.ds(0, 112)])
            compute_vreg(pbuf0, ibuf0, 0)

            def clr(v, _):
                ibuf0[0, pl.ds(v * 16, 16)] = dump_v
                return _
            lax.fori_loop(1, 8, clr, None)
            pltpu.sync_copy(ones, hist_s.at[ibuf0.at[0]], add=True)

        plsc.subcore_barrier()

        pltpu.sync_copy(hist_s.at[pl.ds(sid * _SLAB, _SLAB)],
                        out_hbm.at[pl.ds(cid * _NBINS + sid * _SLAB, _SLAB)])

    return hist_kernel(parts_flat, edges_pad)


def _merge_body(p_ref, o_ref):
    o_ref[...] = p_ref[0] + p_ref[1]


def _merge(partials):
    return pl.pallas_call(
        _merge_body,
        grid=(8,),
        in_specs=[pl.BlockSpec((2, 128, _RES), lambda i: (0, i, 0))],
        out_specs=pl.BlockSpec((128, _RES), lambda i: (i, 0)),
        out_shape=jax.ShapeDtypeStruct((_RES, _RES), jnp.float32),
    )(partials)


@jax.jit
def kernel(particles, energy):
    del energy
    edges = _edges().astype(jnp.float32)
    edges_pad = jnp.concatenate([edges, jnp.zeros((7,), jnp.float32)])
    parts_flat = particles.reshape(-1)
    partials = _sc_hist(parts_flat, edges_pad)
    return _merge(partials.reshape(_NC, _RES, _RES))

# --- scband reference (transcript-rebuilt; emitter-appended) ---
"""Pipeline reference for scband-screen-12120397709706 (READ-ONLY COPY).

The authoritative reference and input builder live on the scoring server;
editing this copy changes nothing except your own understanding.
"""

import jax, jax.numpy as jnp
import numpy as np

# Screen configuration (from init_kwargs)
RES = (1024, 1024)          # sensor resolution (width, height)
PIX = (0.001, 0.001)        # pixel size in meters (width, height)
BINNING = 1
MIS = (0.001, -0.002)       # misalignment (x, y) in meters


def _pixel_bin_edges():
    nx = RES[0] // BINNING
    ny = RES[1] // BINNING
    edges_x = jnp.linspace(-RES[0] * PIX[0] / 2, RES[0] * PIX[0] / 2, nx + 1)
    edges_y = jnp.linspace(-RES[1] * PIX[1] / 2, RES[1] * PIX[1] / 2, ny + 1)
    return edges_x, edges_y


def setup_inputs(seed: int = 0) -> dict:
    key = jax.random.key(seed)
    k1, _ = jax.random.split(key)
    # 2M macro-particles, 7-dim trace space (x, xp, y, yp, s, p, 1)
    particles = jax.random.normal(k1, (2000000, 7), dtype=jnp.float32) * 0.2
    particles = particles.at[:, 6].set(1.0)  # homogeneous coordinate
    energy = jnp.ones((1,), dtype=jnp.float32) * 1.0e8  # 100 MeV reference energy
    return {"particles": particles, "energy": energy}


def reference(particles, energy):
    # Screen transfer map is the identity (7x7 eye); track the beam through it.
    tm = jnp.eye(7, dtype=particles.dtype)
    outgoing = jnp.matmul(particles, tm.T)

    # Read beam: copy of outgoing beam shifted by the screen misalignment.
    x = outgoing[:, 0] - MIS[0]
    y = outgoing[:, 2] - MIS[1]

    edges_x, edges_y = _pixel_bin_edges()
    nx = edges_x.shape[0] - 1
    ny = edges_y.shape[0] - 1

    # histogramdd semantics: points strictly outside [first_edge, last_edge] are
    # dropped; the last bin is closed on the right.
    in_range = (
        (x >= edges_x[0]) & (x <= edges_x[-1]) &
        (y >= edges_y[0]) & (y <= edges_y[-1])
    )
    ix = jnp.clip(jnp.searchsorted(edges_x, x, side="right") - 1, 0, nx - 1)
    iy = jnp.clip(jnp.searchsorted(edges_y, y, side="right") - 1, 0, ny - 1)

    flat = ix * ny + iy
    hist = jnp.zeros((nx * ny,), dtype=jnp.float32).at[flat].add(
        in_range.astype(jnp.float32)
    )
    hist = hist.reshape(nx, ny)

    # Camera reading: transpose so rows are y, then flip vertically.
    image = jnp.flipud(hist.T)
    return image

if __name__ == "__main__":
    import jax
    _d = setup_inputs()
    print(jax.jit(kernel)(*tuple(_d.values())))

</pallas_src>

<mosaic_0001>
#map = affine_map<(d0, d1) -> (0)>
module attributes {stable_mosaic.version = 14 : i64} {
  func.func @hist_kernel(%arg0: i32, %arg1: i32, %arg2: memref<14000000xf32, #tpu.memory_space<hbm>>, %arg3: memref<1032xf32, #tpu.memory_space<hbm>>, %arg4: memref<2097152xf32, #tpu.memory_space<hbm>>, %arg5: memref<14112xf32, #tpu.memory_space<vmem>>, %arg6: memref<14112xf32, #tpu.memory_space<vmem>>, %arg7: memref<1032xf32, #tpu.memory_space<vmem>>, %arg8: memref<16x128xi32, #tpu.memory_space<vmem>>, %arg9: memref<16x128xi32, #tpu.memory_space<vmem>>, %arg10: memref<128xf32, #tpu.memory_space<vmem>>, %arg11: memref<4096xf32, #tpu.memory_space<vmem>>, %arg12: memref<1048584xf32, #tpu.memory_space<vmem_shared>>, %arg13: memref<!tpu.dma_semaphore, #tpu.memory_space<semaphore_mem>>, %arg14: memref<!tpu.dma_semaphore, #tpu.memory_space<semaphore_mem>>, %arg15: memref<!tpu.dma_semaphore, #tpu.memory_space<semaphore_mem>>, %arg16: memref<!tpu.dma_semaphore, #tpu.memory_space<semaphore_mem>>) attributes {dimension_semantics = [#tpu.dimension_semantics<core_parallel>, #tpu.dimension_semantics<subcore_parallel>], iteration_bounds = array<i64: 2, 16>, scalar_prefetch = 0 : i64, scratch_operands = 12 : i64, tpu.core_type = #tpu.core_type<sc_vector_subcore>, window_params = [{transform_indices = #map}, {transform_indices = #map}, {transform_indices = #map}]} {
    %mul3A = arith.constant 16 : i32
    %mul3A_0 = arith.muli %arg0, %mul3A : i32
    %add3A = arith.addi %mul3A_0, %arg1 : i32
    %iota3A = tpu.iota {dimensions = array<i32: 0>} : vector<16xi32>
    %mul3A_1 = arith.constant 7 : i32
    %mul3A_2 = vector.broadcast %mul3A_1 : i32 to vector<16xi32>
    %mul3A_3 = arith.muli %iota3A, %mul3A_2 : vector<16xi32>
    %broadcast_in_dim3A = arith.constant 0.000000e+00 : f32
    %broadcast_in_dim3A_4 = vector.broadcast %broadcast_in_dim3A : f32 to vector<16xf32>
    %broadcast_in_dim3A_5 = arith.constant 1.000000e+00 : f32
    %broadcast_in_dim3A_6 = vector.broadcast %broadcast_in_dim3A_5 : f32 to vector<16xf32>
    %broadcast_in_dim3A_7 = arith.constant 1048576 : i32
    %broadcast_in_dim3A_8 = vector.broadcast %broadcast_in_dim3A_7 : i32 to vector<16xi32>
    "tpu.region"() ({
      %run_scoped3A = tpu.sem_alloc : memref<!tpu.dma_semaphore, #tpu.memory_space<semaphore_mem>>
      tpu.enqueue_dma source(%arg3 : memref<1032xf32, #tpu.memory_space<hbm>>) target(%arg7 : memref<1032xf32, #tpu.memory_space<vmem>>) target_semaphore(%run_scoped3A : memref<!tpu.dma_semaphore, #tpu.memory_space<semaphore_mem>>)
      tpu.wait_dma2 semaphore(%run_scoped3A : memref<!tpu.dma_semaphore, #tpu.memory_space<semaphore_mem>>) src(%arg3 : memref<1032xf32, #tpu.memory_space<hbm>>) dst(%arg7 : memref<1032xf32, #tpu.memory_space<vmem>>)
      tpu.yield
    }) : () -> ()
    %scan3A = arith.constant 0 : i32
    %scan3A_9 = arith.constant 2 : i32
    %scan3A_10 = arith.addi %scan3A, %scan3A_9 : i32
    %scan3A_11 = arith.constant 1 : i32
    scf.for %scan3A_72 = %scan3A to %scan3A_10 step %scan3A_11  : i32 {
      %mul3A_73 = arith.constant 16 : i32
      %mul3A_74 = arith.muli %scan3A_72, %mul3A_73 : i32
      %swap3A = arith.index_cast %mul3A_74 : i32 to index
      %swap3A_75 = tpu.vector_load %arg10[%swap3A] {strides = array<i32>} : memref<128xf32, #tpu.memory_space<vmem>>, vector<16xf32>,
      tpu.vector_store %arg10[%swap3A], %broadcast_in_dim3A_6 {strides = array<i32>} : memref<128xf32, #tpu.memory_space<vmem>>, vector<16xf32>,
      %mul3A_76 = arith.constant 16 : i32
      %mul3A_77 = arith.muli %scan3A_72, %mul3A_76 : i32
      %add3A_78 = arith.constant 96 : i32
      %add3A_79 = arith.addi %add3A_78, %mul3A_77 : i32
      %swap3A_80 = arith.constant 15 : i32
      %swap3A_81 = arith.index_cast %swap3A_80 : i32 to index
      %swap3A_82 = arith.index_cast %add3A_79 : i32 to index
      %swap3A_83 = tpu.vector_load %arg8[%swap3A_81, %swap3A_82] {strides = array<i32>} : memref<16x128xi32, #tpu.memory_space<vmem>>, vector<16xi32>,
      tpu.vector_store %arg8[%swap3A_81, %swap3A_82], %broadcast_in_dim3A_8 {strides = array<i32>} : memref<16x128xi32, #tpu.memory_space<vmem>>, vector<16xi32>,
      %mul3A_84 = arith.constant 16 : i32
      %mul3A_85 = arith.muli %scan3A_72, %mul3A_84 : i32
      %add3A_86 = arith.constant 96 : i32
      %add3A_87 = arith.addi %add3A_86, %mul3A_85 : i32
      %swap3A_88 = arith.constant 15 : i32
      %swap3A_89 = arith.index_cast %swap3A_88 : i32 to index
      %swap3A_90 = arith.index_cast %add3A_87 : i32 to index
      %swap3A_91 = tpu.vector_load %arg9[%swap3A_89, %swap3A_90] {strides = array<i32>} : memref<16x128xi32, #tpu.memory_space<vmem>>, vector<16xi32>,
      tpu.vector_store %arg9[%swap3A_89, %swap3A_90], %broadcast_in_dim3A_8 {strides = array<i32>} : memref<16x128xi32, #tpu.memory_space<vmem>>, vector<16xi32>,
    }
    %scan3A_12 = arith.constant 2 : i32
    %scan3A_13 = arith.constant 0 : i32
    %scan3A_14 = arith.constant 6 : i32
    %scan3A_15 = arith.addi %scan3A_13, %scan3A_14 : i32
    %scan3A_16 = arith.constant 1 : i32
    scf.for %scan3A_72 = %scan3A_13 to %scan3A_15 step %scan3A_16  : i32 {
      %mul3A_73 = arith.constant 16 : i32
      %mul3A_74 = arith.muli %scan3A_72, %mul3A_73 : i32
      %add3A_75 = arith.constant 32 : i32
      %add3A_76 = arith.addi %add3A_75, %mul3A_74 : i32
      %swap3A = arith.index_cast %add3A_76 : i32 to index
      %swap3A_77 = tpu.vector_load %arg10[%swap3A] {strides = array<i32>} : memref<128xf32, #tpu.memory_space<vmem>>, vector<16xf32>,
      tpu.vector_store %arg10[%swap3A], %broadcast_in_dim3A_6 {strides = array<i32>} : memref<128xf32, #tpu.memory_space<vmem>>, vector<16xf32>,
    }
    %scan3A_17 = arith.constant 6 : i32
    %scan3A_18 = arith.constant 0 : i32
    %scan3A_19 = arith.constant 256 : i32
    %scan3A_20 = arith.addi %scan3A_18, %scan3A_19 : i32
    %scan3A_21 = arith.constant 1 : i32
    scf.for %scan3A_72 = %scan3A_18 to %scan3A_20 step %scan3A_21  : i32 {
      %mul3A_73 = arith.constant 16 : i32
      %mul3A_74 = arith.muli %scan3A_72, %mul3A_73 : i32
      %swap3A = arith.index_cast %mul3A_74 : i32 to index
      %swap3A_75 = tpu.vector_load %arg11[%swap3A] {strides = array<i32>} : memref<4096xf32, #tpu.memory_space<vmem>>, vector<16xf32>,
      tpu.vector_store %arg11[%swap3A], %broadcast_in_dim3A_4 {strides = array<i32>} : memref<4096xf32, #tpu.memory_space<vmem>>, vector<16xf32>,
    }
    %scan3A_22 = arith.constant 256 : i32
    %scan3A_23 = arith.constant 0 : i32
    %scan3A_24 = arith.constant 16 : i32
    %scan3A_25 = arith.addi %scan3A_23, %scan3A_24 : i32
    %scan3A_26 = arith.constant 1 : i32
    scf.for %scan3A_72 = %scan3A_23 to %scan3A_25 step %scan3A_26  : i32 {
      %mul3A_73 = arith.constant 65536 : i32
      %mul3A_74 = arith.muli %arg1, %mul3A_73 : i32
      %mul3A_75 = arith.constant 4096 : i32
      %mul3A_76 = arith.muli %scan3A_72, %mul3A_75 : i32
      %add3A_77 = arith.addi %mul3A_74, %mul3A_76 : i32
      "tpu.region"() ({
        %run_scoped3A = tpu.sem_alloc : memref<!tpu.dma_semaphore, #tpu.memory_space<semaphore_mem>>
        %dma_start3A_78 = tpu.memref_slice %arg12[%add3A_77] : memref<1048584xf32, #tpu.memory_space<vmem_shared>> -> memref<4096xf32, #tpu.memory_space<vmem_shared>>
        %dma_start3A_79 = tpu.memref_slice %arg12[%add3A_77] : memref<1048584xf32, #tpu.memory_space<vmem_shared>> -> memref<4096xf32, #tpu.memory_space<vmem_shared>>
        tpu.enqueue_dma source(%arg11 : memref<4096xf32, #tpu.memory_space<vmem>>) target(%dma_start3A_79 : memref<4096xf32, #tpu.memory_space<vmem_shared>>) target_semaphore(%run_scoped3A : memref<!tpu.dma_semaphore, #tpu.memory_space<semaphore_mem>>)
        %dma_wait3A = tpu.memref_slice %arg12[%add3A_77] : memref<1048584xf32, #tpu.memory_space<vmem_shared>> -> memref<4096xf32, #tpu.memory_space<vmem_shared>>
        %dma_wait3A_80 = tpu.memref_slice %arg12[%add3A_77] : memref<1048584xf32, #tpu.memory_space<vmem_shared>> -> memref<4096xf32, #tpu.memory_space<vmem_shared>>
        tpu.wait_dma2 semaphore(%run_scoped3A : memref<!tpu.dma_semaphore, #tpu.memory_space<semaphore_mem>>) src(%arg11 : memref<4096xf32, #tpu.memory_space<vmem>>) dst(%dma_wait3A_80 : memref<4096xf32, #tpu.memory_space<vmem_shared>>)
        tpu.yield
      }) : () -> ()
    }
    %scan3A_27 = arith.constant 16 : i32
    %barrier3A = arith.constant 0 : index
    tpu.barrier barrier_id(%barrier3A)
    %broadcast_in_dim3A_28 = arith.constant -5.120000e-01 : f32
    %broadcast_in_dim3A_29 = vector.broadcast %broadcast_in_dim3A_28 : f32 to vector<16xf32>
    %broadcast_in_dim3A_30 = arith.constant 5.120000e-01 : f32
    %broadcast_in_dim3A_31 = vector.broadcast %broadcast_in_dim3A_30 : f32 to vector<16xf32>
    %mul3A_32 = arith.constant 62496 : i32
    %mul3A_33 = arith.muli %add3A, %mul3A_32 : i32
    %add3A_34 = arith.constant 0 : i32
    %add3A_35 = arith.addi %mul3A_33, %add3A_34 : i32
    %mul3A_36 = arith.constant 7 : i32
    %mul3A_37 = arith.muli %add3A_35, %mul3A_36 : i32
    %dma_start3A = tpu.memref_slice %arg2[%mul3A_37] : memref<14000000xf32, #tpu.memory_space<hbm>> -> memref<14112xf32, #tpu.memory_space<hbm>>
    %dma_start3A_38 = tpu.memref_slice %arg2[%mul3A_37] : memref<14000000xf32, #tpu.memory_space<hbm>> -> memref<14112xf32, #tpu.memory_space<hbm>>
    tpu.enqueue_dma source(%dma_start3A_38 : memref<14112xf32, #tpu.memory_space<hbm>>) target(%arg5 : memref<14112xf32, #tpu.memory_space<vmem>>) target_semaphore(%arg13 : memref<!tpu.dma_semaphore, #tpu.memory_space<semaphore_mem>>)
    %mul3A_39 = arith.constant 62496 : i32
    %mul3A_40 = arith.muli %add3A, %mul3A_39 : i32
    %add3A_41 = arith.constant 2016 : i32
    %add3A_42 = arith.addi %mul3A_40, %add3A_41 : i32
    %mul3A_43 = arith.constant 7 : i32
    %mul3A_44 = arith.muli %add3A_42, %mul3A_43 : i32
    %dma_start3A_45 = tpu.memref_slice %arg2[%mul3A_44] : memref<14000000xf32, #tpu.memory_space<hbm>> -> memref<14112xf32, #tpu.memory_space<hbm>>
    %dma_start3A_46 = tpu.memref_slice %arg2[%mul3A_44] : memref<14000000xf32, #tpu.memory_space<hbm>> -> memref<14112xf32, #tpu.memory_space<hbm>>
    tpu.enqueue_dma source(%dma_start3A_46 : memref<14112xf32, #tpu.memory_space<hbm>>) target(%arg6 : memref<14112xf32, #tpu.memory_space<vmem>>) target_semaphore(%arg14 : memref<!tpu.dma_semaphore, #tpu.memory_space<semaphore_mem>>)
    %scan3A_47 = arith.constant 0 : i32
    %scan3A_48 = arith.constant 16 : i32
    %scan3A_49 = arith.addi %scan3A_47, %scan3A_48 : i32
    %scan3A_50 = arith.constant 1 : i32
    scf.for %scan3A_72 = %scan3A_47 to %scan3A_49 step %scan3A_50  : i32 {
      %mul3A_73 = arith.constant 2 : i32
      %mul3A_74 = arith.muli %scan3A_72, %mul3A_73 : i32
      %gt3A = arith.constant 0 : i32
      %gt3A_75 = arith.cmpi sgt, %scan3A_72, %gt3A : i32
      %convert_element_type3A_76 = arith.extui %gt3A_75 : i1 to i32
      %cond3A_77 = arith.constant 0 : i32
      %cond3A_78 = arith.cmpi ne, %convert_element_type3A_76, %cond3A_77 : i32
      scf.if %cond3A_78 {
        %scan3A_111 = arith.constant 0 : i32
        %scan3A_112 = arith.constant 16 : i32
        %scan3A_113 = arith.addi %scan3A_111, %scan3A_112 : i32
        %scan3A_114 = arith.constant 1 : i32
        scf.for %scan3A_116 = %scan3A_111 to %scan3A_113 step %scan3A_114  : i32 {
          %dma_wait3A_117 = arith.constant 0 : i32
          %dma_wait3A_118 = tpu.memref_slice %arg8[%scan3A_116, %dma_wait3A_117] : memref<16x128xi32, #tpu.memory_space<vmem>> -> memref<1x128xi32, #tpu.memory_space<vmem>>
          %dma_wait3A_119 = tpu.memref_squeeze %dma_wait3A_118 : memref<1x128xi32, #tpu.memory_space<vmem>> -> memref<128xi32, #tpu.memory_space<vmem>>
          %dma_wait3A_120 = arith.constant 0 : i32
          %dma_wait3A_121 = tpu.memref_slice %arg12[%dma_wait3A_120] : memref<1048584xf32, #tpu.memory_space<vmem_shared>> -> memref<1048584xf32, #tpu.memory_space<vmem_shared>>
          tpu.wait_indirect_dma semaphore(%arg15 : memref<!tpu.dma_semaphore, #tpu.memory_space<semaphore_mem>>) src(%arg10 : memref<128xf32, #tpu.memory_space<vmem>>) dst(%dma_wait3A_121 : memref<1048584xf32, #tpu.memory_space<vmem_shared>>)
        }
        %scan3A_115 = arith.constant 16 : i32
      } else {
      }
      %mul3A_79 = arith.constant 62496 : i32
      %mul3A_80 = arith.muli %add3A, %mul3A_79 : i32
      %mul3A_81 = arith.constant 2016 : i32
      %mul3A_82 = arith.muli %mul3A_74, %mul3A_81 : i32
      %add3A_83 = arith.addi %mul3A_80, %mul3A_82 : i32
      %mul3A_84 = arith.constant 7 : i32
      %mul3A_85 = arith.muli %add3A_83, %mul3A_84 : i32
      %dma_wait3A = tpu.memref_slice %arg2[%mul3A_85] : memref<14000000xf32, #tpu.memory_space<hbm>> -> memref<14112xf32, #tpu.memory_space<hbm>>
      %dma_wait3A_86 = tpu.memref_slice %arg2[%mul3A_85] : memref<14000000xf32, #tpu.memory_space<hbm>> -> memref<14112xf32, #tpu.memory_space<hbm>>
      tpu.wait_dma2 semaphore(%arg13 : memref<!tpu.dma_semaphore, #tpu.memory_space<semaphore_mem>>) src(%dma_wait3A_86 : memref<14112xf32, #tpu.memory_space<hbm>>) dst(%arg5 : memref<14112xf32, #tpu.memory_space<vmem>>)
      %scan3A_87 = arith.constant 0 : i32
      %scan3A_88 = arith.constant 126 : i32
      %scan3A_89 = arith.addi %scan3A_87, %scan3A_88 : i32
      %scan3A_90 = arith.constant 1 : i32
      scf.for %scan3A_111 = %scan3A_87 to %scan3A_89 step %scan3A_90  : i32 {
        %mul3A_112 = arith.constant 112 : i32
        %mul3A_113 = arith.muli %scan3A_111, %mul3A_112 : i32
        %add3A_114 = vector.broadcast %mul3A_113 : i32 to vector<16xi32>
        %add3A_115 = arith.addi %add3A_114, %mul3A_3 : vector<16xi32>
        %gather3A = tpu.vector_load_idx %arg5[%add3A_115] : memref<14112xf32, #tpu.memory_space<vmem>>[vector<16xi32>], vector<16xf32>,
        %add3A_116 = vector.broadcast %mul3A_113 : i32 to vector<16xi32>
        %add3A_117 = arith.addi %add3A_116, %mul3A_3 : vector<16xi32>
        %add3A_118 = arith.constant 2 : i32
        %add3A_119 = vector.broadcast %add3A_118 : i32 to vector<16xi32>
        %add3A_120 = arith.addi %add3A_117, %add3A_119 : vector<16xi32>
        %gather3A_121 = tpu.vector_load_idx %arg5[%add3A_120] : memref<14112xf32, #tpu.memory_space<vmem>>[vector<16xi32>], vector<16xf32>,
        %bitcast3A = vector.bitcast %gather3A : vector<16xf32> to vector<16xi32>
        %shift_right_arithmetic3A = arith.constant 16 : i32
        %shift_right_arithmetic3A_122 = vector.broadcast %shift_right_arithmetic3A : i32 to vector<16xi32>
        %shift_right_arithmetic3A_123 = arith.shrsi %bitcast3A, %shift_right_arithmetic3A_122 : vector<16xi32>
        %and3A = arith.constant 1 : i32
        %and3A_124 = vector.broadcast %and3A : i32 to vector<16xi32>
        %and3A_125 = arith.andi %shift_right_arithmetic3A_123, %and3A_124 : vector<16xi32>
        %add3A_126 = arith.addi %bitcast3A, %and3A_125 : vector<16xi32>
        %add3A_127 = arith.constant 32767 : i32
        %add3A_128 = vector.broadcast %add3A_127 : i32 to vector<16xi32>
        %add3A_129 = arith.addi %add3A_126, %add3A_128 : vector<16xi32>
        %and3A_130 = arith.constant -65536 : i32
        %and3A_131 = vector.broadcast %and3A_130 : i32 to vector<16xi32>
        %and3A_132 = arith.andi %add3A_129, %and3A_131 : vector<16xi32>
        %bitcast3A_133 = vector.bitcast %and3A_132 : vector<16xi32> to vector<16xf32>
        %sub3A = arith.constant 1.000000e-03 : f32
        %sub3A_134 = vector.broadcast %sub3A : f32 to vector<16xf32>
        %sub3A_135 = arith.subf %bitcast3A_133, %sub3A_134 : vector<16xf32>
        %ge3A = arith.cmpf oge, %sub3A_135, %broadcast_in_dim3A_29 : vector<16xf32>
        %le3A = arith.cmpf ole, %sub3A_135, %broadcast_in_dim3A_31 : vector<16xf32>
        %and3A_136 = arith.andi %ge3A, %le3A : vector<16xi1>
        %sub3A_137 = arith.subf %sub3A_135, %broadcast_in_dim3A_29 : vector<16xf32>
        %mul3A_138 = arith.constant 1.000000e+03 : f32
        %mul3A_139 = vector.broadcast %mul3A_138 : f32 to vector<16xf32>
        %mul3A_140 = arith.mulf %sub3A_137, %mul3A_139 : vector<16xf32>
        %jit3A = arith.constant 0.000000e+00 : f32
        %jit3A_141 = arith.constant 1.023000e+03 : f32
        %max3A = vector.broadcast %jit3A : f32 to vector<16xf32>
        %max3A_142 = arith.maximumf %max3A, %mul3A_140 : vector<16xf32>
        %min3A = vector.broadcast %jit3A_141 : f32 to vector<16xf32>
        %min3A_143 = arith.minimumf %min3A, %max3A_142 : vector<16xf32>
        %convert_element_type3A_144 = arith.fptosi %min3A_143 : vector<16xf32> to vector<16xi32>
        %gather3A_145 = tpu.vector_load_idx %arg7[%convert_element_type3A_144] : memref<1032xf32, #tpu.memory_space<vmem>>[vector<16xi32>], vector<16xf32>,
        %add3A_146 = arith.constant 1 : i32
        %add3A_147 = vector.broadcast %add3A_146 : i32 to vector<16xi32>
        %add3A_148 = arith.addi %convert_element_type3A_144, %add3A_147 : vector<16xi32>
        %gather3A_149 = tpu.vector_load_idx %arg7[%add3A_148] : memref<1032xf32, #tpu.memory_space<vmem>>[vector<16xi32>], vector<16xf32>,
        %ge3A_150 = arith.cmpf oge, %sub3A_135, %gather3A_149 : vector<16xf32>
        %jit3A_151 = arith.constant 1 : i32
        %jit3A_152 = arith.constant 0 : i32
        %broadcast_in_dim3A_153 = vector.broadcast %jit3A_151 : i32 to vector<16xi32>
        %broadcast_in_dim3A_154 = vector.broadcast %jit3A_152 : i32 to vector<16xi32>
        %select_n3A = arith.select %ge3A_150, %broadcast_in_dim3A_153, %broadcast_in_dim3A_154 : vector<16xi1>, vector<16xi32>
        %add3A_155 = arith.addi %convert_element_type3A_144, %select_n3A : vector<16xi32>
        %lt3A_156 = arith.cmpf olt, %sub3A_135, %gather3A_145 : vector<16xf32>
        %jit3A_157 = arith.constant 1 : i32
        %jit3A_158 = arith.constant 0 : i32
        %broadcast_in_dim3A_159 = vector.broadcast %jit3A_157 : i32 to vector<16xi32>
        %broadcast_in_dim3A_160 = vector.broadcast %jit3A_158 : i32 to vector<16xi32>
        %select_n3A_161 = arith.select %lt3A_156, %broadcast_in_dim3A_159, %broadcast_in_dim3A_160 : vector<16xi1>, vector<16xi32>
        %sub3A_162 = arith.subi %add3A_155, %select_n3A_161 : vector<16xi32>
        %jit3A_163 = arith.constant 0 : i32
        %jit3A_164 = arith.constant 1023 : i32
        %max3A_165 = vector.broadcast %jit3A_163 : i32 to vector<16xi32>
        %max3A_166 = arith.maxsi %max3A_165, %sub3A_162 : vector<16xi32>
        %min3A_167 = vector.broadcast %jit3A_164 : i32 to vector<16xi32>
        %min3A_168 = arith.minsi %min3A_167, %max3A_166 : vector<16xi32>
        %bitcast3A_169 = vector.bitcast %gather3A_121 : vector<16xf32> to vector<16xi32>
        %shift_right_arithmetic3A_170 = arith.constant 16 : i32
        %shift_right_arithmetic3A_171 = vector.broadcast %shift_right_arithmetic3A_170 : i32 to vector<16xi32>
        %shift_right_arithmetic3A_172 = arith.shrsi %bitcast3A_169, %shift_right_arithmetic3A_171 : vector<16xi32>
        %and3A_173 = arith.constant 1 : i32
        %and3A_174 = vector.broadcast %and3A_173 : i32 to vector<16xi32>
        %and3A_175 = arith.andi %shift_right_arithmetic3A_172, %and3A_174 : vector<16xi32>
        %add3A_176 = arith.addi %bitcast3A_169, %and3A_175 : vector<16xi32>
        %add3A_177 = arith.constant 32767 : i32
        %add3A_178 = vector.broadcast %add3A_177 : i32 to vector<16xi32>
        %add3A_179 = arith.addi %add3A_176, %add3A_178 : vector<16xi32>
        %and3A_180 = arith.constant -65536 : i32
        %and3A_181 = vector.broadcast %and3A_180 : i32 to vector<16xi32>
        %and3A_182 = arith.andi %add3A_179, %and3A_181 : vector<16xi32>
        %bitcast3A_183 = vector.bitcast %and3A_182 : vector<16xi32> to vector<16xf32>
        %sub3A_184 = arith.constant -2.000000e-03 : f32
        %sub3A_185 = vector.broadcast %sub3A_184 : f32 to vector<16xf32>
        %sub3A_186 = arith.subf %bitcast3A_183, %sub3A_185 : vector<16xf32>
        %ge3A_187 = arith.cmpf oge, %sub3A_186, %broadcast_in_dim3A_29 : vector<16xf32>
        %le3A_188 = arith.cmpf ole, %sub3A_186, %broadcast_in_dim3A_31 : vector<16xf32>
        %and3A_189 = arith.andi %ge3A_187, %le3A_188 : vector<16xi1>
        %sub3A_190 = arith.subf %sub3A_186, %broadcast_in_dim3A_29 : vector<16xf32>
        %mul3A_191 = arith.constant 1.000000e+03 : f32
        %mul3A_192 = vector.broadcast %mul3A_191 : f32 to vector<16xf32>
        %mul3A_193 = arith.mulf %sub3A_190, %mul3A_192 : vector<16xf32>
        %jit3A_194 = arith.constant 0.000000e+00 : f32
        %jit3A_195 = arith.constant 1.023000e+03 : f32
        %max3A_196 = vector.broadcast %jit3A_194 : f32 to vector<16xf32>
        %max3A_197 = arith.maximumf %max3A_196, %mul3A_193 : vector<16xf32>
        %min3A_198 = vector.broadcast %jit3A_195 : f32 to vector<16xf32>
        %min3A_199 = arith.minimumf %min3A_198, %max3A_197 : vector<16xf32>
        %convert_element_type3A_200 = arith.fptosi %min3A_199 : vector<16xf32> to vector<16xi32>
        %gather3A_201 = tpu.vector_load_idx %arg7[%convert_element_type3A_200] : memref<1032xf32, #tpu.memory_space<vmem>>[vector<16xi32>], vector<16xf32>,
        %add3A_202 = arith.constant 1 : i32
        %add3A_203 = vector.broadcast %add3A_202 : i32 to vector<16xi32>
        %add3A_204 = arith.addi %convert_element_type3A_200, %add3A_203 : vector<16xi32>
        %gather3A_205 = tpu.vector_load_idx %arg7[%add3A_204] : memref<1032xf32, #tpu.memory_space<vmem>>[vector<16xi32>], vector<16xf32>,
        %ge3A_206 = arith.cmpf oge, %sub3A_186, %gather3A_205 : vector<16xf32>
        %jit3A_207 = arith.constant 1 : i32
        %jit3A_208 = arith.constant 0 : i32
        %broadcast_in_dim3A_209 = vector.broadcast %jit3A_207 : i32 to vector<16xi32>
        %broadcast_in_dim3A_210 = vector.broadcast %jit3A_208 : i32 to vector<16xi32>
        %select_n3A_211 = arith.select %ge3A_206, %broadcast_in_dim3A_209, %broadcast_in_dim3A_210 : vector<16xi1>, vector<16xi32>
        %add3A_212 = arith.addi %convert_element_type3A_200, %select_n3A_211 : vector<16xi32>
        %lt3A_213 = arith.cmpf olt, %sub3A_186, %gather3A_201 : vector<16xf32>
        %jit3A_214 = arith.constant 1 : i32
        %jit3A_215 = arith.constant 0 : i32
        %broadcast_in_dim3A_216 = vector.broadcast %jit3A_214 : i32 to vector<16xi32>
        %broadcast_in_dim3A_217 = vector.broadcast %jit3A_215 : i32 to vector<16xi32>
        %select_n3A_218 = arith.select %lt3A_213, %broadcast_in_dim3A_216, %broadcast_in_dim3A_217 : vector<16xi1>, vector<16xi32>
        %sub3A_219 = arith.subi %add3A_212, %select_n3A_218 : vector<16xi32>
        %jit3A_220 = arith.constant 0 : i32
        %jit3A_221 = arith.constant 1023 : i32
        %max3A_222 = vector.broadcast %jit3A_220 : i32 to vector<16xi32>
        %max3A_223 = arith.maxsi %max3A_222, %sub3A_219 : vector<16xi32>
        %min3A_224 = vector.broadcast %jit3A_221 : i32 to vector<16xi32>
        %min3A_225 = arith.minsi %min3A_224, %max3A_223 : vector<16xi32>
        %sub3A_226 = arith.constant 1023 : i32
        %sub3A_227 = vector.broadcast %sub3A_226 : i32 to vector<16xi32>
        %sub3A_228 = arith.subi %sub3A_227, %min3A_225 : vector<16xi32>
        %mul3A_229 = arith.constant 1024 : i32
        %mul3A_230 = vector.broadcast %mul3A_229 : i32 to vector<16xi32>
        %mul3A_231 = arith.muli %sub3A_228, %mul3A_230 : vector<16xi32>
        %add3A_232 = arith.addi %mul3A_231, %min3A_168 : vector<16xi32>
        %and3A_233 = arith.andi %and3A_136, %and3A_189 : vector<16xi1>
        %select_n3A_234 = arith.select %and3A_233, %add3A_232, %broadcast_in_dim3A_8 : vector<16xi1>, vector<16xi32>
        %shift_right_arithmetic3A_235 = arith.constant 3 : i32
        %shift_right_arithmetic3A_236 = arith.shrsi %scan3A_111, %shift_right_arithmetic3A_235 : i32
        %and3A_237 = arith.constant 7 : i32
        %and3A_238 = arith.andi %scan3A_111, %and3A_237 : i32
        %mul3A_239 = arith.constant 16 : i32
        %mul3A_240 = arith.muli %and3A_238, %mul3A_239 : i32
        %swap3A = arith.index_cast %shift_right_arithmetic3A_236 : i32 to index
        %swap3A_241 = arith.index_cast %mul3A_240 : i32 to index
        %swap3A_242 = tpu.vector_load %arg8[%swap3A, %swap3A_241] {strides = array<i32>} : memref<16x128xi32, #tpu.memory_space<vmem>>, vector<16xi32>,
        tpu.vector_store %arg8[%swap3A, %swap3A_241], %select_n3A_234 {strides = array<i32>} : memref<16x128xi32, #tpu.memory_space<vmem>>, vector<16xi32>,
      }
      %scan3A_91 = arith.constant 126 : i32
      %add3A_92 = arith.constant 2 : i32
      %add3A_93 = arith.addi %mul3A_74, %add3A_92 : i32
      %lt3A_94 = arith.constant 31 : i32
      %lt3A_95 = arith.cmpi slt, %add3A_93, %lt3A_94 : i32
      %convert_element_type3A_96 = arith.extui %lt3A_95 : i1 to i32
      %cond3A_97 = arith.constant 0 : i32
      %cond3A_98 = arith.cmpi ne, %convert_element_type3A_96, %cond3A_97 : i32
      scf.if %cond3A_98 {
        %add3A_111 = arith.constant 2 : i32
        %add3A_112 = arith.addi %mul3A_74, %add3A_111 : i32
        %mul3A_113 = arith.constant 62496 : i32
        %mul3A_114 = arith.muli %add3A, %mul3A_113 : i32
        %mul3A_115 = arith.constant 2016 : i32
        %mul3A_116 = arith.muli %add3A_112, %mul3A_115 : i32
        %add3A_117 = arith.addi %mul3A_114, %mul3A_116 : i32
        %mul3A_118 = arith.constant 7 : i32
        %mul3A_119 = arith.muli %add3A_117, %mul3A_118 : i32
        %dma_start3A_120 = tpu.memref_slice %arg2[%mul3A_119] : memref<14000000xf32, #tpu.memory_space<hbm>> -> memref<14112xf32, #tpu.memory_space<hbm>>
        %dma_start3A_121 = tpu.memref_slice %arg2[%mul3A_119] : memref<14000000xf32, #tpu.memory_space<hbm>> -> memref<14112xf32, #tpu.memory_space<hbm>>
        tpu.enqueue_dma source(%dma_start3A_121 : memref<14112xf32, #tpu.memory_space<hbm>>) target(%arg5 : memref<14112xf32, #tpu.memory_space<vmem>>) target_semaphore(%arg13 : memref<!tpu.dma_semaphore, #tpu.memory_space<semaphore_mem>>)
      } else {
      }
      %scan3A_99 = arith.constant 0 : i32
      %scan3A_100 = arith.constant 16 : i32
      %scan3A_101 = arith.addi %scan3A_99, %scan3A_100 : i32
      %scan3A_102 = arith.constant 1 : i32
      scf.for %scan3A_111 = %scan3A_99 to %scan3A_101 step %scan3A_102  : i32 {
        %dma_start3A_112 = arith.constant 0 : i32
        %dma_start3A_113 = tpu.memref_slice %arg8[%scan3A_111, %dma_start3A_112] : memref<16x128xi32, #tpu.memory_space<vmem>> -> memref<1x128xi32, #tpu.memory_space<vmem>>
        %dma_start3A_114 = tpu.memref_squeeze %dma_start3A_113 : memref<1x128xi32, #tpu.memory_space<vmem>> -> memref<128xi32, #tpu.memory_space<vmem>>
        %dma_start3A_115 = arith.constant 0 : i32
        %dma_start3A_116 = tpu.memref_slice %arg12[%dma_start3A_115] : memref<1048584xf32, #tpu.memory_space<vmem_shared>> -> memref<1048584xf32, #tpu.memory_space<vmem_shared>>
        tpu.enqueue_indirect_dma source(%arg10 : memref<128xf32, #tpu.memory_space<vmem>>) target(%dma_start3A_116 : memref<1048584xf32, #tpu.memory_space<vmem_shared>>) offsets(%dma_start3A_114 : memref<128xi32, #tpu.memory_space<vmem>>) semaphore(%arg15 : memref<!tpu.dma_semaphore, #tpu.memory_space<semaphore_mem>>) {add = true}
      }
      %scan3A_103 = arith.constant 16 : i32
      %add3A_104 = arith.constant 1 : i32
      %add3A_105 = arith.addi %mul3A_74, %add3A_104 : i32
      %lt3A_106 = arith.constant 31 : i32
      %lt3A_107 = arith.cmpi slt, %add3A_105, %lt3A_106 : i32
      %convert_element_type3A_108 = arith.extui %lt3A_107 : i1 to i32
      %cond3A_109 = arith.constant 0 : i32
      %cond3A_110 = arith.cmpi ne, %convert_element_type3A_108, %cond3A_109 : i32
      scf.if %cond3A_110 {
        %gt3A_111 = arith.constant 0 : i32
        %gt3A_112 = arith.cmpi sgt, %scan3A_72, %gt3A_111 : i32
        %convert_element_type3A_113 = arith.extui %gt3A_112 : i1 to i32
        %cond3A_114 = arith.constant 0 : i32
        %cond3A_115 = arith.cmpi ne, %convert_element_type3A_113, %cond3A_114 : i32
        scf.if %cond3A_115 {
          %scan3A_144 = arith.constant 0 : i32
          %scan3A_145 = arith.constant 16 : i32
          %scan3A_146 = arith.addi %scan3A_144, %scan3A_145 : i32
          %scan3A_147 = arith.constant 1 : i32
          scf.for %scan3A_149 = %scan3A_144 to %scan3A_146 step %scan3A_147  : i32 {
            %dma_wait3A_150 = arith.constant 0 : i32
            %dma_wait3A_151 = tpu.memref_slice %arg9[%scan3A_149, %dma_wait3A_150] : memref<16x128xi32, #tpu.memory_space<vmem>> -> memref<1x128xi32, #tpu.memory_space<vmem>>
            %dma_wait3A_152 = tpu.memref_squeeze %dma_wait3A_151 : memref<1x128xi32, #tpu.memory_space<vmem>> -> memref<128xi32, #tpu.memory_space<vmem>>
            %dma_wait3A_153 = arith.constant 0 : i32
            %dma_wait3A_154 = tpu.memref_slice %arg12[%dma_wait3A_153] : memref<1048584xf32, #tpu.memory_space<vmem_shared>> -> memref<1048584xf32, #tpu.memory_space<vmem_shared>>
            tpu.wait_indirect_dma semaphore(%arg16 : memref<!tpu.dma_semaphore, #tpu.memory_space<semaphore_mem>>) src(%arg10 : memref<128xf32, #tpu.memory_space<vmem>>) dst(%dma_wait3A_154 : memref<1048584xf32, #tpu.memory_space<vmem_shared>>)
          }
          %scan3A_148 = arith.constant 16 : i32
        } else {
        }
        %add3A_116 = arith.constant 1 : i32
        %add3A_117 = arith.addi %mul3A_74, %add3A_116 : i32
        %mul3A_118 = arith.constant 62496 : i32
        %mul3A_119 = arith.muli %add3A, %mul3A_118 : i32
        %mul3A_120 = arith.constant 2016 : i32
        %mul3A_121 = arith.muli %add3A_117, %mul3A_120 : i32
        %add3A_122 = arith.addi %mul3A_119, %mul3A_121 : i32
        %mul3A_123 = arith.constant 7 : i32
        %mul3A_124 = arith.muli %add3A_122, %mul3A_123 : i32
        %dma_wait3A_125 = tpu.memref_slice %arg2[%mul3A_124] : memref<14000000xf32, #tpu.memory_space<hbm>> -> memref<14112xf32, #tpu.memory_space<hbm>>
        %dma_wait3A_126 = tpu.memref_slice %arg2[%mul3A_124] : memref<14000000xf32, #tpu.memory_space<hbm>> -> memref<14112xf32, #tpu.memory_space<hbm>>
        tpu.wait_dma2 semaphore(%arg14 : memref<!tpu.dma_semaphore, #tpu.memory_space<semaphore_mem>>) src(%dma_wait3A_126 : memref<14112xf32, #tpu.memory_space<hbm>>) dst(%arg6 : memref<14112xf32, #tpu.memory_space<vmem>>)
        %scan3A_127 = arith.constant 0 : i32
        %scan3A_128 = arith.constant 126 : i32
        %scan3A_129 = arith.addi %scan3A_127, %scan3A_128 : i32
        %scan3A_130 = arith.constant 1 : i32
        scf.for %scan3A_144 = %scan3A_127 to %scan3A_129 step %scan3A_130  : i32 {
          %mul3A_145 = arith.constant 112 : i32
          %mul3A_146 = arith.muli %scan3A_144, %mul3A_145 : i32
          %add3A_147 = vector.broadcast %mul3A_146 : i32 to vector<16xi32>
          %add3A_148 = arith.addi %add3A_147, %mul3A_3 : vector<16xi32>
          %gather3A = tpu.vector_load_idx %arg6[%add3A_148] : memref<14112xf32, #tpu.memory_space<vmem>>[vector<16xi32>], vector<16xf32>,
          %add3A_149 = vector.broadcast %mul3A_146 : i32 to vector<16xi32>
          %add3A_150 = arith.addi %add3A_149, %mul3A_3 : vector<16xi32>
          %add3A_151 = arith.constant 2 : i32
          %add3A_152 = vector.broadcast %add3A_151 : i32 to vector<16xi32>
          %add3A_153 = arith.addi %add3A_150, %add3A_152 : vector<16xi32>
          %gather3A_154 = tpu.vector_load_idx %arg6[%add3A_153] : memref<14112xf32, #tpu.memory_space<vmem>>[vector<16xi32>], vector<16xf32>,
          %bitcast3A = vector.bitcast %gather3A : vector<16xf32> to vector<16xi32>
          %shift_right_arithmetic3A = arith.constant 16 : i32
          %shift_right_arithmetic3A_155 = vector.broadcast %shift_right_arithmetic3A : i32 to vector<16xi32>
          %shift_right_arithmetic3A_156 = arith.shrsi %bitcast3A, %shift_right_arithmetic3A_155 : vector<16xi32>
          %and3A = arith.constant 1 : i32
          %and3A_157 = vector.broadcast %and3A : i32 to vector<16xi32>
          %and3A_158 = arith.andi %shift_right_arithmetic3A_156, %and3A_157 : vector<16xi32>
          %add3A_159 = arith.addi %bitcast3A, %and3A_158 : vector<16xi32>
          %add3A_160 = arith.constant 32767 : i32
          %add3A_161 = vector.broadcast %add3A_160 : i32 to vector<16xi32>
          %add3A_162 = arith.addi %add3A_159, %add3A_161 : vector<16xi32>
          %and3A_163 = arith.constant -65536 : i32
          %and3A_164 = vector.broadcast %and3A_163 : i32 to vector<16xi32>
          %and3A_165 = arith.andi %add3A_162, %and3A_164 : vector<16xi32>
          %bitcast3A_166 = vector.bitcast %and3A_165 : vector<16xi32> to vector<16xf32>
          %sub3A = arith.constant 1.000000e-03 : f32
          %sub3A_167 = vector.broadcast %sub3A : f32 to vector<16xf32>
          %sub3A_168 = arith.subf %bitcast3A_166, %sub3A_167 : vector<16xf32>
          %ge3A = arith.cmpf oge, %sub3A_168, %broadcast_in_dim3A_29 : vector<16xf32>
          %le3A = arith.cmpf ole, %sub3A_168, %broadcast_in_dim3A_31 : vector<16xf32>
          %and3A_169 = arith.andi %ge3A, %le3A : vector<16xi1>
          %sub3A_170 = arith.subf %sub3A_168, %broadcast_in_dim3A_29 : vector<16xf32>
          %mul3A_171 = arith.constant 1.000000e+03 : f32
          %mul3A_172 = vector.broadcast %mul3A_171 : f32 to vector<16xf32>
          %mul3A_173 = arith.mulf %sub3A_170, %mul3A_172 : vector<16xf32>
          %jit3A = arith.constant 0.000000e+00 : f32
          %jit3A_174 = arith.constant 1.023000e+03 : f32
          %max3A = vector.broadcast %jit3A : f32 to vector<16xf32>
          %max3A_175 = arith.maximumf %max3A, %mul3A_173 : vector<16xf32>
          %min3A = vector.broadcast %jit3A_174 : f32 to vector<16xf32>
          %min3A_176 = arith.minimumf %min3A, %max3A_175 : vector<16xf32>
          %convert_element_type3A_177 = arith.fptosi %min3A_176 : vector<16xf32> to vector<16xi32>
          %gather3A_178 = tpu.vector_load_idx %arg7[%convert_element_type3A_177] : memref<1032xf32, #tpu.memory_space<vmem>>[vector<16xi32>], vector<16xf32>,
          %add3A_179 = arith.constant 1 : i32
          %add3A_180 = vector.broadcast %add3A_179 : i32 to vector<16xi32>
          %add3A_181 = arith.addi %convert_element_type3A_177, %add3A_180 : vector<16xi32>
          %gather3A_182 = tpu.vector_load_idx %arg7[%add3A_181] : memref<1032xf32, #tpu.memory_space<vmem>>[vector<16xi32>], vector<16xf32>,
          %ge3A_183 = arith.cmpf oge, %sub3A_168, %gather3A_182 : vector<16xf32>
          %jit3A_184 = arith.constant 1 : i32
          %jit3A_185 = arith.constant 0 : i32
          %broadcast_in_dim3A_186 = vector.broadcast %jit3A_184 : i32 to vector<16xi32>
          %broadcast_in_dim3A_187 = vector.broadcast %jit3A_185 : i32 to vector<16xi32>
          %select_n3A = arith.select %ge3A_183, %broadcast_in_dim3A_186, %broadcast_in_dim3A_187 : vector<16xi1>, vector<16xi32>
          %add3A_188 = arith.addi %convert_element_type3A_177, %select_n3A : vector<16xi32>
          %lt3A_189 = arith.cmpf olt, %sub3A_168, %gather3A_178 : vector<16xf32>
          %jit3A_190 = arith.constant 1 : i32
          %jit3A_191 = arith.constant 0 : i32
          %broadcast_in_dim3A_192 = vector.broadcast %jit3A_190 : i32 to vector<16xi32>
          %broadcast_in_dim3A_193 = vector.broadcast %jit3A_191 : i32 to vector<16xi32>
          %select_n3A_194 = arith.select %lt3A_189, %broadcast_in_dim3A_192, %broadcast_in_dim3A_193 : vector<16xi1>, vector<16xi32>
          %sub3A_195 = arith.subi %add3A_188, %select_n3A_194 : vector<16xi32>
          %jit3A_196 = arith.constant 0 : i32
          %jit3A_197 = arith.constant 1023 : i32
          %max3A_198 = vector.broadcast %jit3A_196 : i32 to vector<16xi32>
          %max3A_199 = arith.maxsi %max3A_198, %sub3A_195 : vector<16xi32>
          %min3A_200 = vector.broadcast %jit3A_197 : i32 to vector<16xi32>
          %min3A_201 = arith.minsi %min3A_200, %max3A_199 : vector<16xi32>
          %bitcast3A_202 = vector.bitcast %gather3A_154 : vector<16xf32> to vector<16xi32>
          %shift_right_arithmetic3A_203 = arith.constant 16 : i32
          %shift_right_arithmetic3A_204 = vector.broadcast %shift_right_arithmetic3A_203 : i32 to vector<16xi32>
          %shift_right_arithmetic3A_205 = arith.shrsi %bitcast3A_202, %shift_right_arithmetic3A_204 : vector<16xi32>
          %and3A_206 = arith.constant 1 : i32
          %and3A_207 = vector.broadcast %and3A_206 : i32 to vector<16xi32>
          %and3A_208 = arith.andi %shift_right_arithmetic3A_205, %and3A_207 : vector<16xi32>
          %add3A_209 = arith.addi %bitcast3A_202, %and3A_208 : vector<16xi32>
          %add3A_210 = arith.constant 32767 : i32
          %add3A_211 = vector.broadcast %add3A_210 : i32 to vector<16xi32>
          %add3A_212 = arith.addi %add3A_209, %add3A_211 : vector<16xi32>
          %and3A_213 = arith.constant -65536 : i32
          %and3A_214 = vector.broadcast %and3A_213 : i32 to vector<16xi32>
          %and3A_215 = arith.andi %add3A_212, %and3A_214 : vector<16xi32>
          %bitcast3A_216 = vector.bitcast %and3A_215 : vector<16xi32> to vector<16xf32>
          %sub3A_217 = arith.constant -2.000000e-03 : f32
          %sub3A_218 = vector.broadcast %sub3A_217 : f32 to vector<16xf32>
          %sub3A_219 = arith.subf %bitcast3A_216, %sub3A_218 : vector<16xf32>
          %ge3A_220 = arith.cmpf oge, %sub3A_219, %broadcast_in_dim3A_29 : vector<16xf32>
          %le3A_221 = arith.cmpf ole, %sub3A_219, %broadcast_in_dim3A_31 : vector<16xf32>
          %and3A_222 = arith.andi %ge3A_220, %le3A_221 : vector<16xi1>
          %sub3A_223 = arith.subf %sub3A_219, %broadcast_in_dim3A_29 : vector<16xf32>
          %mul3A_224 = arith.constant 1.000000e+03 : f32
          %mul3A_225 = vector.broadcast %mul3A_224 : f32 to vector<16xf32>
          %mul3A_226 = arith.mulf %sub3A_223, %mul3A_225 : vector<16xf32>
          %jit3A_227 = arith.constant 0.000000e+00 : f32
          %jit3A_228 = arith.constant 1.023000e+03 : f32
          %max3A_229 = vector.broadcast %jit3A_227 : f32 to vector<16xf32>
          %max3A_230 = arith.maximumf %max3A_229, %mul3A_226 : vector<16xf32>
          %min3A_231 = vector.broadcast %jit3A_228 : f32 to vector<16xf32>
          %min3A_232 = arith.minimumf %min3A_231, %max3A_230 : vector<16xf32>
          %convert_element_type3A_233 = arith.fptosi %min3A_232 : vector<16xf32> to vector<16xi32>
          %gather3A_234 = tpu.vector_load_idx %arg7[%convert_element_type3A_233] : memref<1032xf32, #tpu.memory_space<vmem>>[vector<16xi32>], vector<16xf32>,
          %add3A_235 = arith.constant 1 : i32
          %add3A_236 = vector.broadcast %add3A_235 : i32 to vector<16xi32>
          %add3A_237 = arith.addi %convert_element_type3A_233, %add3A_236 : vector<16xi32>
          %gather3A_238 = tpu.vector_load_idx %arg7[%add3A_237] : memref<1032xf32, #tpu.memory_space<vmem>>[vector<16xi32>], vector<16xf32>,
          %ge3A_239 = arith.cmpf oge, %sub3A_219, %gather3A_238 : vector<16xf32>
          %jit3A_240 = arith.constant 1 : i32
          %jit3A_241 = arith.constant 0 : i32
          %broadcast_in_dim3A_242 = vector.broadcast %jit3A_240 : i32 to vector<16xi32>
          %broadcast_in_dim3A_243 = vector.broadcast %jit3A_241 : i32 to vector<16xi32>
          %select_n3A_244 = arith.select %ge3A_239, %broadcast_in_dim3A_242, %broadcast_in_dim3A_243 : vector<16xi1>, vector<16xi32>
          %add3A_245 = arith.addi %convert_element_type3A_233, %select_n3A_244 : vector<16xi32>
          %lt3A_246 = arith.cmpf olt, %sub3A_219, %gather3A_234 : vector<16xf32>
          %jit3A_247 = arith.constant 1 : i32
          %jit3A_248 = arith.constant 0 : i32
          %broadcast_in_dim3A_249 = vector.broadcast %jit3A_247 : i32 to vector<16xi32>
          %broadcast_in_dim3A_250 = vector.broadcast %jit3A_248 : i32 to vector<16xi32>
          %select_n3A_251 = arith.select %lt3A_246, %broadcast_in_dim3A_249, %broadcast_in_dim3A_250 : vector<16xi1>, vector<16xi32>
          %sub3A_252 = arith.subi %add3A_245, %select_n3A_251 : vector<16xi32>
          %jit3A_253 = arith.constant 0 : i32
          %jit3A_254 = arith.constant 1023 : i32
          %max3A_255 = vector.broadcast %jit3A_253 : i32 to vector<16xi32>
          %max3A_256 = arith.maxsi %max3A_255, %sub3A_252 : vector<16xi32>
          %min3A_257 = vector.broadcast %jit3A_254 : i32 to vector<16xi32>
          %min3A_258 = arith.minsi %min3A_257, %max3A_256 : vector<16xi32>
          %sub3A_259 = arith.constant 1023 : i32
          %sub3A_260 = vector.broadcast %sub3A_259 : i32 to vector<16xi32>
          %sub3A_261 = arith.subi %sub3A_260, %min3A_258 : vector<16xi32>
          %mul3A_262 = arith.constant 1024 : i32
          %mul3A_263 = vector.broadcast %mul3A_262 : i32 to vector<16xi32>
          %mul3A_264 = arith.muli %sub3A_261, %mul3A_263 : vector<16xi32>
          %add3A_265 = arith.addi %mul3A_264, %min3A_201 : vector<16xi32>
          %and3A_266 = arith.andi %and3A_169, %and3A_222 : vector<16xi1>
          %select_n3A_267 = arith.select %and3A_266, %add3A_265, %broadcast_in_dim3A_8 : vector<16xi1>, vector<16xi32>
          %shift_right_arithmetic3A_268 = arith.constant 3 : i32
          %shift_right_arithmetic3A_269 = arith.shrsi %scan3A_144, %shift_right_arithmetic3A_268 : i32
          %and3A_270 = arith.constant 7 : i32
          %and3A_271 = arith.andi %scan3A_144, %and3A_270 : i32
          %mul3A_272 = arith.constant 16 : i32
          %mul3A_273 = arith.muli %and3A_271, %mul3A_272 : i32
          %swap3A = arith.index_cast %shift_right_arithmetic3A_269 : i32 to index
          %swap3A_274 = arith.index_cast %mul3A_273 : i32 to index
          %swap3A_275 = tpu.vector_load %arg9[%swap3A, %swap3A_274] {strides = array<i32>} : memref<16x128xi32, #tpu.memory_space<vmem>>, vector<16xi32>,
          tpu.vector_store %arg9[%swap3A, %swap3A_274], %select_n3A_267 {strides = array<i32>} : memref<16x128xi32, #tpu.memory_space<vmem>>, vector<16xi32>,
        }
        %scan3A_131 = arith.constant 126 : i32
        %add3A_132 = arith.constant 2 : i32
        %add3A_133 = arith.addi %add3A_117, %add3A_132 : i32
        %lt3A_134 = arith.constant 31 : i32
        %lt3A_135 = arith.cmpi slt, %add3A_133, %lt3A_134 : i32
        %convert_element_type3A_136 = arith.extui %lt3A_135 : i1 to i32
        %cond3A_137 = arith.constant 0 : i32
        %cond3A_138 = arith.cmpi ne, %convert_element_type3A_136, %cond3A_137 : i32
        scf.if %cond3A_138 {
          %add3A_144 = arith.constant 2 : i32
          %add3A_145 = arith.addi %add3A_117, %add3A_144 : i32
          %mul3A_146 = arith.constant 62496 : i32
          %mul3A_147 = arith.muli %add3A, %mul3A_146 : i32
          %mul3A_148 = arith.constant 2016 : i32
          %mul3A_149 = arith.muli %add3A_145, %mul3A_148 : i32
          %add3A_150 = arith.addi %mul3A_147, %mul3A_149 : i32
          %mul3A_151 = arith.constant 7 : i32
          %mul3A_152 = arith.muli %add3A_150, %mul3A_151 : i32
          %dma_start3A_153 = tpu.memref_slice %arg2[%mul3A_152] : memref<14000000xf32, #tpu.memory_space<hbm>> -> memref<14112xf32, #tpu.memory_space<hbm>>
          %dma_start3A_154 = tpu.memref_slice %arg2[%mul3A_152] : memref<14000000xf32, #tpu.memory_space<hbm>> -> memref<14112xf32, #tpu.memory_space<hbm>>
          tpu.enqueue_dma source(%dma_start3A_154 : memref<14112xf32, #tpu.memory_space<hbm>>) target(%arg6 : memref<14112xf32, #tpu.memory_space<vmem>>) target_semaphore(%arg14 : memref<!tpu.dma_semaphore, #tpu.memory_space<semaphore_mem>>)
        } else {
        }
        %scan3A_139 = arith.constant 0 : i32
        %scan3A_140 = arith.constant 16 : i32
        %scan3A_141 = arith.addi %scan3A_139, %scan3A_140 : i32
        %scan3A_142 = arith.constant 1 : i32
        scf.for %scan3A_144 = %scan3A_139 to %scan3A_141 step %scan3A_142  : i32 {
          %dma_start3A_145 = arith.constant 0 : i32
          %dma_start3A_146 = tpu.memref_slice %arg9[%scan3A_144, %dma_start3A_145] : memref<16x128xi32, #tpu.memory_space<vmem>> -> memref<1x128xi32, #tpu.memory_space<vmem>>
          %dma_start3A_147 = tpu.memref_squeeze %dma_start3A_146 : memref<1x128xi32, #tpu.memory_space<vmem>> -> memref<128xi32, #tpu.memory_space<vmem>>
          %dma_start3A_148 = arith.constant 0 : i32
          %dma_start3A_149 = tpu.memref_slice %arg12[%dma_start3A_148] : memref<1048584xf32, #tpu.memory_space<vmem_shared>> -> memref<1048584xf32, #tpu.memory_space<vmem_shared>>
          tpu.enqueue_indirect_dma source(%arg10 : memref<128xf32, #tpu.memory_space<vmem>>) target(%dma_start3A_149 : memref<1048584xf32, #tpu.memory_space<vmem_shared>>) offsets(%dma_start3A_147 : memref<128xi32, #tpu.memory_space<vmem>>) semaphore(%arg16 : memref<!tpu.dma_semaphore, #tpu.memory_space<semaphore_mem>>) {add = true}
        }
        %scan3A_143 = arith.constant 16 : i32
      } else {
      }
    }
    %scan3A_51 = arith.constant 16 : i32
    %scan3A_52 = arith.constant 0 : i32
    %scan3A_53 = arith.constant 16 : i32
    %scan3A_54 = arith.addi %scan3A_52, %scan3A_53 : i32
    %scan3A_55 = arith.constant 1 : i32
    scf.for %scan3A_72 = %scan3A_52 to %scan3A_54 step %scan3A_55  : i32 {
      %dma_wait3A = arith.constant 0 : i32
      %dma_wait3A_73 = tpu.memref_slice %arg8[%scan3A_72, %dma_wait3A] : memref<16x128xi32, #tpu.memory_space<vmem>> -> memref<1x128xi32, #tpu.memory_space<vmem>>
      %dma_wait3A_74 = tpu.memref_squeeze %dma_wait3A_73 : memref<1x128xi32, #tpu.memory_space<vmem>> -> memref<128xi32, #tpu.memory_space<vmem>>
      %dma_wait3A_75 = arith.constant 0 : i32
      %dma_wait3A_76 = tpu.memref_slice %arg12[%dma_wait3A_75] : memref<1048584xf32, #tpu.memory_space<vmem_shared>> -> memref<1048584xf32, #tpu.memory_space<vmem_shared>>
      tpu.wait_indirect_dma semaphore(%arg15 : memref<!tpu.dma_semaphore, #tpu.memory_space<semaphore_mem>>) src(%arg10 : memref<128xf32, #tpu.memory_space<vmem>>) dst(%dma_wait3A_76 : memref<1048584xf32, #tpu.memory_space<vmem_shared>>)
    }
    %scan3A_56 = arith.constant 16 : i32
    %scan3A_57 = arith.constant 0 : i32
    %scan3A_58 = arith.constant 16 : i32
    %scan3A_59 = arith.addi %scan3A_57, %scan3A_58 : i32
    %scan3A_60 = arith.constant 1 : i32
    scf.for %scan3A_72 = %scan3A_57 to %scan3A_59 step %scan3A_60  : i32 {
      %dma_wait3A = arith.constant 0 : i32
      %dma_wait3A_73 = tpu.memref_slice %arg9[%scan3A_72, %dma_wait3A] : memref<16x128xi32, #tpu.memory_space<vmem>> -> memref<1x128xi32, #tpu.memory_space<vmem>>
      %dma_wait3A_74 = tpu.memref_squeeze %dma_wait3A_73 : memref<1x128xi32, #tpu.memory_space<vmem>> -> memref<128xi32, #tpu.memory_space<vmem>>
      %dma_wait3A_75 = arith.constant 0 : i32
      %dma_wait3A_76 = tpu.memref_slice %arg12[%dma_wait3A_75] : memref<1048584xf32, #tpu.memory_space<vmem_shared>> -> memref<1048584xf32, #tpu.memory_space<vmem_shared>>
      tpu.wait_indirect_dma semaphore(%arg16 : memref<!tpu.dma_semaphore, #tpu.memory_space<semaphore_mem>>) src(%arg10 : memref<128xf32, #tpu.memory_space<vmem>>) dst(%dma_wait3A_76 : memref<1048584xf32, #tpu.memory_space<vmem_shared>>)
    }
    %scan3A_61 = arith.constant 16 : i32
    %lt3A = arith.constant 8 : i32
    %lt3A_62 = arith.cmpi slt, %add3A, %lt3A : i32
    %convert_element_type3A = arith.extui %lt3A_62 : i1 to i32
    %cond3A = arith.constant 0 : i32
    %cond3A_63 = arith.cmpi ne, %convert_element_type3A, %cond3A : i32
    scf.if %cond3A_63 {
      %mul3A_72 = arith.constant 16 : i32
      %mul3A_73 = arith.muli %add3A, %mul3A_72 : i32
      %add3A_74 = arith.constant 1999872 : i32
      %add3A_75 = arith.addi %add3A_74, %mul3A_73 : i32
      %mul3A_76 = arith.constant 7 : i32
      %mul3A_77 = arith.muli %add3A_75, %mul3A_76 : i32
      "tpu.region"() ({
        %run_scoped3A_209 = tpu.sem_alloc : memref<!tpu.dma_semaphore, #tpu.memory_space<semaphore_mem>>
        %dma_start3A_210 = arith.constant 0 : i32
        %dma_start3A_211 = tpu.memref_slice %arg5[%dma_start3A_210] : memref<14112xf32, #tpu.memory_space<vmem>> -> memref<112xf32, #tpu.memory_space<vmem>>
        %dma_start3A_212 = tpu.memref_slice %arg2[%mul3A_77] : memref<14000000xf32, #tpu.memory_space<hbm>> -> memref<112xf32, #tpu.memory_space<hbm>>
        %dma_start3A_213 = arith.constant 0 : i32
        %dma_start3A_214 = tpu.memref_slice %arg5[%dma_start3A_213] : memref<14112xf32, #tpu.memory_space<vmem>> -> memref<112xf32, #tpu.memory_space<vmem>>
        %dma_start3A_215 = tpu.memref_slice %arg2[%mul3A_77] : memref<14000000xf32, #tpu.memory_space<hbm>> -> memref<112xf32, #tpu.memory_space<hbm>>
        tpu.enqueue_dma source(%dma_start3A_215 : memref<112xf32, #tpu.memory_space<hbm>>) target(%dma_start3A_214 : memref<112xf32, #tpu.memory_space<vmem>>) target_semaphore(%run_scoped3A_209 : memref<!tpu.dma_semaphore, #tpu.memory_space<semaphore_mem>>)
        %dma_wait3A = arith.constant 0 : i32
        %dma_wait3A_216 = tpu.memref_slice %arg5[%dma_wait3A] : memref<14112xf32, #tpu.memory_space<vmem>> -> memref<112xf32, #tpu.memory_space<vmem>>
        %dma_wait3A_217 = tpu.memref_slice %arg2[%mul3A_77] : memref<14000000xf32, #tpu.memory_space<hbm>> -> memref<112xf32, #tpu.memory_space<hbm>>
        %dma_wait3A_218 = arith.constant 0 : i32
        %dma_wait3A_219 = tpu.memref_slice %arg5[%dma_wait3A_218] : memref<14112xf32, #tpu.memory_space<vmem>> -> memref<112xf32, #tpu.memory_space<vmem>>
        %dma_wait3A_220 = tpu.memref_slice %arg2[%mul3A_77] : memref<14000000xf32, #tpu.memory_space<hbm>> -> memref<112xf32, #tpu.memory_space<hbm>>
        tpu.wait_dma2 semaphore(%run_scoped3A_209 : memref<!tpu.dma_semaphore, #tpu.memory_space<semaphore_mem>>) src(%dma_wait3A_220 : memref<112xf32, #tpu.memory_space<hbm>>) dst(%dma_wait3A_219 : memref<112xf32, #tpu.memory_space<vmem>>)
        tpu.yield
      }) : () -> ()
      %add3A_78 = arith.constant 0 : i32
      %add3A_79 = vector.broadcast %add3A_78 : i32 to vector<16xi32>
      %add3A_80 = arith.addi %add3A_79, %mul3A_3 : vector<16xi32>
      %gather3A = tpu.vector_load_idx %arg5[%add3A_80] : memref<14112xf32, #tpu.memory_space<vmem>>[vector<16xi32>], vector<16xf32>,
      %add3A_81 = arith.constant 0 : i32
      %add3A_82 = vector.broadcast %add3A_81 : i32 to vector<16xi32>
      %add3A_83 = arith.addi %add3A_82, %mul3A_3 : vector<16xi32>
      %add3A_84 = arith.constant 2 : i32
      %add3A_85 = vector.broadcast %add3A_84 : i32 to vector<16xi32>
      %add3A_86 = arith.addi %add3A_83, %add3A_85 : vector<16xi32>
      %gather3A_87 = tpu.vector_load_idx %arg5[%add3A_86] : memref<14112xf32, #tpu.memory_space<vmem>>[vector<16xi32>], vector<16xf32>,
      %bitcast3A = vector.bitcast %gather3A : vector<16xf32> to vector<16xi32>
      %shift_right_arithmetic3A = arith.constant 16 : i32
      %shift_right_arithmetic3A_88 = vector.broadcast %shift_right_arithmetic3A : i32 to vector<16xi32>
      %shift_right_arithmetic3A_89 = arith.shrsi %bitcast3A, %shift_right_arithmetic3A_88 : vector<16xi32>
      %and3A = arith.constant 1 : i32
      %and3A_90 = vector.broadcast %and3A : i32 to vector<16xi32>
      %and3A_91 = arith.andi %shift_right_arithmetic3A_89, %and3A_90 : vector<16xi32>
      %add3A_92 = arith.addi %bitcast3A, %and3A_91 : vector<16xi32>
      %add3A_93 = arith.constant 32767 : i32
      %add3A_94 = vector.broadcast %add3A_93 : i32 to vector<16xi32>
      %add3A_95 = arith.addi %add3A_92, %add3A_94 : vector<16xi32>
      %and3A_96 = arith.constant -65536 : i32
      %and3A_97 = vector.broadcast %and3A_96 : i32 to vector<16xi32>
      %and3A_98 = arith.andi %add3A_95, %and3A_97 : vector<16xi32>
      %bitcast3A_99 = vector.bitcast %and3A_98 : vector<16xi32> to vector<16xf32>
      %sub3A = arith.constant 1.000000e-03 : f32
      %sub3A_100 = vector.broadcast %sub3A : f32 to vector<16xf32>
      %sub3A_101 = arith.subf %bitcast3A_99, %sub3A_100 : vector<16xf32>
      %ge3A = arith.cmpf oge, %sub3A_101, %broadcast_in_dim3A_29 : vector<16xf32>
      %le3A = arith.cmpf ole, %sub3A_101, %broadcast_in_dim3A_31 : vector<16xf32>
      %and3A_102 = arith.andi %ge3A, %le3A : vector<16xi1>
      %sub3A_103 = arith.subf %sub3A_101, %broadcast_in_dim3A_29 : vector<16xf32>
      %mul3A_104 = arith.constant 1.000000e+03 : f32
      %mul3A_105 = vector.broadcast %mul3A_104 : f32 to vector<16xf32>
      %mul3A_106 = arith.mulf %sub3A_103, %mul3A_105 : vector<16xf32>
      %jit3A = arith.constant 0.000000e+00 : f32
      %jit3A_107 = arith.constant 1.023000e+03 : f32
      %max3A = vector.broadcast %jit3A : f32 to vector<16xf32>
      %max3A_108 = arith.maximumf %max3A, %mul3A_106 : vector<16xf32>
      %min3A = vector.broadcast %jit3A_107 : f32 to vector<16xf32>
      %min3A_109 = arith.minimumf %min3A, %max3A_108 : vector<16xf32>
      %convert_element_type3A_110 = arith.fptosi %min3A_109 : vector<16xf32> to vector<16xi32>
      %gather3A_111 = tpu.vector_load_idx %arg7[%convert_element_type3A_110] : memref<1032xf32, #tpu.memory_space<vmem>>[vector<16xi32>], vector<16xf32>,
      %add3A_112 = arith.constant 1 : i32
      %add3A_113 = vector.broadcast %add3A_112 : i32 to vector<16xi32>
      %add3A_114 = arith.addi %convert_element_type3A_110, %add3A_113 : vector<16xi32>
      %gather3A_115 = tpu.vector_load_idx %arg7[%add3A_114] : memref<1032xf32, #tpu.memory_space<vmem>>[vector<16xi32>], vector<16xf32>,
      %ge3A_116 = arith.cmpf oge, %sub3A_101, %gather3A_115 : vector<16xf32>
      %jit3A_117 = arith.constant 1 : i32
      %jit3A_118 = arith.constant 0 : i32
      %broadcast_in_dim3A_119 = vector.broadcast %jit3A_117 : i32 to vector<16xi32>
      %broadcast_in_dim3A_120 = vector.broadcast %jit3A_118 : i32 to vector<16xi32>
      %select_n3A = arith.select %ge3A_116, %broadcast_in_dim3A_119, %broadcast_in_dim3A_120 : vector<16xi1>, vector<16xi32>
      %add3A_121 = arith.addi %convert_element_type3A_110, %select_n3A : vector<16xi32>
      %lt3A_122 = arith.cmpf olt, %sub3A_101, %gather3A_111 : vector<16xf32>
      %jit3A_123 = arith.constant 1 : i32
      %jit3A_124 = arith.constant 0 : i32
      %broadcast_in_dim3A_125 = vector.broadcast %jit3A_123 : i32 to vector<16xi32>
      %broadcast_in_dim3A_126 = vector.broadcast %jit3A_124 : i32 to vector<16xi32>
      %select_n3A_127 = arith.select %lt3A_122, %broadcast_in_dim3A_125, %broadcast_in_dim3A_126 : vector<16xi1>, vector<16xi32>
      %sub3A_128 = arith.subi %add3A_121, %select_n3A_127 : vector<16xi32>
      %jit3A_129 = arith.constant 0 : i32
      %jit3A_130 = arith.constant 1023 : i32
      %max3A_131 = vector.broadcast %jit3A_129 : i32 to vector<16xi32>
      %max3A_132 = arith.maxsi %max3A_131, %sub3A_128 : vector<16xi32>
      %min3A_133 = vector.broadcast %jit3A_130 : i32 to vector<16xi32>
      %min3A_134 = arith.minsi %min3A_133, %max3A_132 : vector<16xi32>
      %bitcast3A_135 = vector.bitcast %gather3A_87 : vector<16xf32> to vector<16xi32>
      %shift_right_arithmetic3A_136 = arith.constant 16 : i32
      %shift_right_arithmetic3A_137 = vector.broadcast %shift_right_arithmetic3A_136 : i32 to vector<16xi32>
      %shift_right_arithmetic3A_138 = arith.shrsi %bitcast3A_135, %shift_right_arithmetic3A_137 : vector<16xi32>
      %and3A_139 = arith.constant 1 : i32
      %and3A_140 = vector.broadcast %and3A_139 : i32 to vector<16xi32>
      %and3A_141 = arith.andi %shift_right_arithmetic3A_138, %and3A_140 : vector<16xi32>
      %add3A_142 = arith.addi %bitcast3A_135, %and3A_141 : vector<16xi32>
      %add3A_143 = arith.constant 32767 : i32
      %add3A_144 = vector.broadcast %add3A_143 : i32 to vector<16xi32>
      %add3A_145 = arith.addi %add3A_142, %add3A_144 : vector<16xi32>
      %and3A_146 = arith.constant -65536 : i32
      %and3A_147 = vector.broadcast %and3A_146 : i32 to vector<16xi32>
      %and3A_148 = arith.andi %add3A_145, %and3A_147 : vector<16xi32>
      %bitcast3A_149 = vector.bitcast %and3A_148 : vector<16xi32> to vector<16xf32>
      %sub3A_150 = arith.constant -2.000000e-03 : f32
      %sub3A_151 = vector.broadcast %sub3A_150 : f32 to vector<16xf32>
      %sub3A_152 = arith.subf %bitcast3A_149, %sub3A_151 : vector<16xf32>
      %ge3A_153 = arith.cmpf oge, %sub3A_152, %broadcast_in_dim3A_29 : vector<16xf32>
      %le3A_154 = arith.cmpf ole, %sub3A_152, %broadcast_in_dim3A_31 : vector<16xf32>
      %and3A_155 = arith.andi %ge3A_153, %le3A_154 : vector<16xi1>
      %sub3A_156 = arith.subf %sub3A_152, %broadcast_in_dim3A_29 : vector<16xf32>
      %mul3A_157 = arith.constant 1.000000e+03 : f32
      %mul3A_158 = vector.broadcast %mul3A_157 : f32 to vector<16xf32>
      %mul3A_159 = arith.mulf %sub3A_156, %mul3A_158 : vector<16xf32>
      %jit3A_160 = arith.constant 0.000000e+00 : f32
      %jit3A_161 = arith.constant 1.023000e+03 : f32
      %max3A_162 = vector.broadcast %jit3A_160 : f32 to vector<16xf32>
      %max3A_163 = arith.maximumf %max3A_162, %mul3A_159 : vector<16xf32>
      %min3A_164 = vector.broadcast %jit3A_161 : f32 to vector<16xf32>
      %min3A_165 = arith.minimumf %min3A_164, %max3A_163 : vector<16xf32>
      %convert_element_type3A_166 = arith.fptosi %min3A_165 : vector<16xf32> to vector<16xi32>
      %gather3A_167 = tpu.vector_load_idx %arg7[%convert_element_type3A_166] : memref<1032xf32, #tpu.memory_space<vmem>>[vector<16xi32>], vector<16xf32>,
      %add3A_168 = arith.constant 1 : i32
      %add3A_169 = vector.broadcast %add3A_168 : i32 to vector<16xi32>
      %add3A_170 = arith.addi %convert_element_type3A_166, %add3A_169 : vector<16xi32>
      %gather3A_171 = tpu.vector_load_idx %arg7[%add3A_170] : memref<1032xf32, #tpu.memory_space<vmem>>[vector<16xi32>], vector<16xf32>,
      %ge3A_172 = arith.cmpf oge, %sub3A_152, %gather3A_171 : vector<16xf32>
      %jit3A_173 = arith.constant 1 : i32
      %jit3A_174 = arith.constant 0 : i32
      %broadcast_in_dim3A_175 = vector.broadcast %jit3A_173 : i32 to vector<16xi32>
      %broadcast_in_dim3A_176 = vector.broadcast %jit3A_174 : i32 to vector<16xi32>
      %select_n3A_177 = arith.select %ge3A_172, %broadcast_in_dim3A_175, %broadcast_in_dim3A_176 : vector<16xi1>, vector<16xi32>
      %add3A_178 = arith.addi %convert_element_type3A_166, %select_n3A_177 : vector<16xi32>
      %lt3A_179 = arith.cmpf olt, %sub3A_152, %gather3A_167 : vector<16xf32>
      %jit3A_180 = arith.constant 1 : i32
      %jit3A_181 = arith.constant 0 : i32
      %broadcast_in_dim3A_182 = vector.broadcast %jit3A_180 : i32 to vector<16xi32>
      %broadcast_in_dim3A_183 = vector.broadcast %jit3A_181 : i32 to vector<16xi32>
      %select_n3A_184 = arith.select %lt3A_179, %broadcast_in_dim3A_182, %broadcast_in_dim3A_183 : vector<16xi1>, vector<16xi32>
      %sub3A_185 = arith.subi %add3A_178, %select_n3A_184 : vector<16xi32>
      %jit3A_186 = arith.constant 0 : i32
      %jit3A_187 = arith.constant 1023 : i32
      %max3A_188 = vector.broadcast %jit3A_186 : i32 to vector<16xi32>
      %max3A_189 = arith.maxsi %max3A_188, %sub3A_185 : vector<16xi32>
      %min3A_190 = vector.broadcast %jit3A_187 : i32 to vector<16xi32>
      %min3A_191 = arith.minsi %min3A_190, %max3A_189 : vector<16xi32>
      %sub3A_192 = arith.constant 1023 : i32
      %sub3A_193 = vector.broadcast %sub3A_192 : i32 to vector<16xi32>
      %sub3A_194 = arith.subi %sub3A_193, %min3A_191 : vector<16xi32>
      %mul3A_195 = arith.constant 1024 : i32
      %mul3A_196 = vector.broadcast %mul3A_195 : i32 to vector<16xi32>
      %mul3A_197 = arith.muli %sub3A_194, %mul3A_196 : vector<16xi32>
      %add3A_198 = arith.addi %mul3A_197, %min3A_134 : vector<16xi32>
      %and3A_199 = arith.andi %and3A_102, %and3A_155 : vector<16xi1>
      %select_n3A_200 = arith.select %and3A_199, %add3A_198, %broadcast_in_dim3A_8 : vector<16xi1>, vector<16xi32>
      %swap3A = arith.constant 0 : i32
      %swap3A_201 = arith.index_cast %swap3A : i32 to index
      %swap3A_202 = arith.constant 0 : index
      %swap3A_203 = tpu.vector_load %arg8[%swap3A_201, %swap3A_202] {strides = array<i32>} : memref<16x128xi32, #tpu.memory_space<vmem>>, vector<16xi32>,
      tpu.vector_store %arg8[%swap3A_201, %swap3A_202], %select_n3A_200 {strides = array<i32>} : memref<16x128xi32, #tpu.memory_space<vmem>>, vector<16xi32>,
      %scan3A_204 = arith.constant 1 : i32
      %scan3A_205 = arith.constant 7 : i32
      %scan3A_206 = arith.addi %scan3A_204, %scan3A_205 : i32
      %scan3A_207 = arith.constant 1 : i32
      scf.for %scan3A_209 = %scan3A_204 to %scan3A_206 step %scan3A_207  : i32 {
        %mul3A_210 = arith.constant 16 : i32
        %mul3A_211 = arith.muli %scan3A_209, %mul3A_210 : i32
        %swap3A_212 = arith.constant 0 : i32
        %swap3A_213 = arith.index_cast %swap3A_212 : i32 to index
        %swap3A_214 = arith.index_cast %mul3A_211 : i32 to index
        %swap3A_215 = tpu.vector_load %arg8[%swap3A_213, %swap3A_214] {strides = array<i32>} : memref<16x128xi32, #tpu.memory_space<vmem>>, vector<16xi32>,
        tpu.vector_store %arg8[%swap3A_213, %swap3A_214], %broadcast_in_dim3A_8 {strides = array<i32>} : memref<16x128xi32, #tpu.memory_space<vmem>>, vector<16xi32>,
      }
      %scan3A_208 = arith.constant 7 : i32
      %run_scoped3A = arith.constant 0 : i32
      "tpu.region"() ({
        %run_scoped3A_209 = tpu.sem_alloc : memref<!tpu.dma_semaphore, #tpu.memory_space<semaphore_mem>>
        %dma_start3A_210 = arith.constant 0 : i32
        %dma_start3A_211 = tpu.memref_slice %arg8[%run_scoped3A, %dma_start3A_210] : memref<16x128xi32, #tpu.memory_space<vmem>> -> memref<1x128xi32, #tpu.memory_space<vmem>>
        %dma_start3A_212 = tpu.memref_squeeze %dma_start3A_211 : memref<1x128xi32, #tpu.memory_space<vmem>> -> memref<128xi32, #tpu.memory_space<vmem>>
        %dma_start3A_213 = arith.constant 0 : i32
        %dma_start3A_214 = tpu.memref_slice %arg12[%dma_start3A_213] : memref<1048584xf32, #tpu.memory_space<vmem_shared>> -> memref<1048584xf32, #tpu.memory_space<vmem_shared>>
        tpu.enqueue_indirect_dma source(%arg10 : memref<128xf32, #tpu.memory_space<vmem>>) target(%dma_start3A_214 : memref<1048584xf32, #tpu.memory_space<vmem_shared>>) offsets(%dma_start3A_212 : memref<128xi32, #tpu.memory_space<vmem>>) semaphore(%run_scoped3A_209 : memref<!tpu.dma_semaphore, #tpu.memory_space<semaphore_mem>>) {add = true}
        %dma_wait3A = arith.constant 0 : i32
        %dma_wait3A_215 = tpu.memref_slice %arg8[%run_scoped3A, %dma_wait3A] : memref<16x128xi32, #tpu.memory_space<vmem>> -> memref<1x128xi32, #tpu.memory_space<vmem>>
        %dma_wait3A_216 = tpu.memref_squeeze %dma_wait3A_215 : memref<1x128xi32, #tpu.memory_space<vmem>> -> memref<128xi32, #tpu.memory_space<vmem>>
        %dma_wait3A_217 = arith.constant 0 : i32
        %dma_wait3A_218 = tpu.memref_slice %arg12[%dma_wait3A_217] : memref<1048584xf32, #tpu.memory_space<vmem_shared>> -> memref<1048584xf32, #tpu.memory_space<vmem_shared>>
        tpu.wait_indirect_dma semaphore(%run_scoped3A_209 : memref<!tpu.dma_semaphore, #tpu.memory_space<semaphore_mem>>) src(%arg10 : memref<128xf32, #tpu.memory_space<vmem>>) dst(%dma_wait3A_218 : memref<1048584xf32, #tpu.memory_space<vmem_shared>>)
        tpu.yield
      }) : () -> ()
    } else {
    }
    %barrier3A_64 = arith.constant 0 : index
    tpu.barrier barrier_id(%barrier3A_64)
    %mul3A_65 = arith.constant 65536 : i32
    %mul3A_66 = arith.muli %arg1, %mul3A_65 : i32
    %mul3A_67 = arith.constant 1048576 : i32
    %mul3A_68 = arith.muli %arg0, %mul3A_67 : i32
    %mul3A_69 = arith.constant 65536 : i32
    %mul3A_70 = arith.muli %arg1, %mul3A_69 : i32
    %add3A_71 = arith.addi %mul3A_68, %mul3A_70 : i32
    "tpu.region"() ({
      %run_scoped3A = tpu.sem_alloc : memref<!tpu.dma_semaphore, #tpu.memory_space<semaphore_mem>>
      %dma_start3A_72 = tpu.memref_slice %arg4[%add3A_71] : memref<2097152xf32, #tpu.memory_space<hbm>> -> memref<65536xf32, #tpu.memory_space<hbm>>
      %dma_start3A_73 = tpu.memref_slice %arg12[%mul3A_66] : memref<1048584xf32, #tpu.memory_space<vmem_shared>> -> memref<65536xf32, #tpu.memory_space<vmem_shared>>
      tpu.enqueue_dma source(%dma_start3A_73 : memref<65536xf32, #tpu.memory_space<vmem_shared>>) target(%dma_start3A_72 : memref<65536xf32, #tpu.memory_space<hbm>>) target_semaphore(%run_scoped3A : memref<!tpu.dma_semaphore, #tpu.memory_space<semaphore_mem>>)
      %dma_wait3A = tpu.memref_slice %arg4[%add3A_71] : memref<2097152xf32, #tpu.memory_space<hbm>> -> memref<65536xf32, #tpu.memory_space<hbm>>
      %dma_wait3A_74 = tpu.memref_slice %arg12[%mul3A_66] : memref<1048584xf32, #tpu.memory_space<vmem_shared>> -> memref<65536xf32, #tpu.memory_space<vmem_shared>>
      tpu.wait_dma2 semaphore(%run_scoped3A : memref<!tpu.dma_semaphore, #tpu.memory_space<semaphore_mem>>) src(%dma_wait3A_74 : memref<65536xf32, #tpu.memory_space<vmem_shared>>) dst(%dma_wait3A : memref<65536xf32, #tpu.memory_space<hbm>>)
      tpu.yield
    }) : () -> ()
    return
  }
}

module attributes {stable_mosaic.version = 14 : i64} {
  func.func @_merge_body(%arg0: i32, %arg1: memref<2x128x1024xf32, #tpu.memory_space<vmem>>, %arg2: memref<128x1024xf32, #tpu.memory_space<vmem>>) attributes {dimension_semantics = [#tpu.dimension_semantics<arbitrary>], iteration_bounds = array<i64: 8>, scalar_prefetch = 0 : i64, scratch_operands = 0 : i64, tpu.core_type = #tpu.core_type<tc>, window_params = [{transform_indices = @transform_0, window_bounds = array<i64: 2, 128, 1024>}, {transform_indices = @transform_1, window_bounds = array<i64: 128, 1024>}]} {
    %get3A = arith.constant 0 : index
    %get3A_0 = arith.constant 0 : index
    %get3A_1 = arith.constant 0 : index
    %get3A_2 = vector.load %arg1[%get3A, %get3A_0, %get3A_1] : memref<2x128x1024xf32, #tpu.memory_space<vmem>>, vector<1x128x1024xf32>
    %get3A_3 = vector.shape_cast %get3A_2 : vector<1x128x1024xf32> to vector<128x1024xf32>
    %get3A_4 = arith.constant 1 : index
    %get3A_5 = arith.constant 0 : index
    %get3A_6 = arith.constant 0 : index
    %get3A_7 = vector.load %arg1[%get3A_4, %get3A_5, %get3A_6] : memref<2x128x1024xf32, #tpu.memory_space<vmem>>, vector<1x128x1024xf32>
    %get3A_8 = vector.shape_cast %get3A_7 : vector<1x128x1024xf32> to vector<128x1024xf32>
    %add3A = arith.addf %get3A_3, %get3A_8 : vector<128x1024xf32>
    %swap3A = arith.constant 0 : index
    %swap3A_9 = arith.constant 0 : index
    %swap3A_10 = vector.load %arg2[%swap3A, %swap3A_9] : memref<128x1024xf32, #tpu.memory_space<vmem>>, vector<128x1024xf32>
    tpu.vector_store %arg2[%swap3A, %swap3A_9], %add3A {strides = array<i32>} : memref<128x1024xf32, #tpu.memory_space<vmem>>, vector<128x1024xf32>,
    return
  }
  func.func @transform_0(%arg0: i32) -> (i32, i32, i32) {
    %c0_i32 = arith.constant 0 : i32
    %c0_i32_0 = arith.constant 0 : i32
    %c0_i32_1 = arith.constant 0 : i32
    return %c0_i32, %arg0, %c0_i32_0 : i32, i32, i32
  }
  func.func @transform_1(%arg0: i32) -> (i32, i32) {
    %c0_i32 = arith.constant 0 : i32
    %c0_i32_0 = arith.constant 0 : i32
    return %arg0, %c0_i32 : i32, i32
  }
}

</mosaic_0001>

<sc_bundles>
// kernel: kernel.4.cloned.1.call-start
scs
__scs_entry_jumppad:
0x0: {  	(pc) =	sbr.rel $0x88, $3  }
0x1: {  	(tag) =	ssettag $0x0;
	lr =	simm.s32 $0x1  }
0x2: {  	[smem:$0x3FA0] =	sst lr;
	_ =	strace $0xD0000000  }
0x3: {  	_ = 	snop  }
0x4: {  	_ = 	snop  }
0x5: {  	_ = 	snop  }
0x6: {  	_ = 	snop  }
0x7: {  	_ = 	snop  }
__scs_overlays_trampoline_lowered:
0x8: {  	[smem:$0x3FAF] =	sst s0  }
0x9: {  	[smem:$0x3FB0] =	sst s1  }
0xa: {  	[smem:$0x3FB1] =	sst s2  }
0xb: {  	[smem:$0x3FB2] =	sst s3  }
0xc: {  	[smem:$0x3FB3] =	sst s4  }
0xd: {  	[smem:$0x3FB4] =	sst s5  }
0xe: {  	[smem:$0x3FB5] =	sst s6  }
0xf: {  	[smem:$0x3FB6] =	sst s7  }
0x10: {  	[smem:$0x3FB7] =	sst s8  }
0x11: {  	[smem:$0x3FB8] =	sst s9;
	s0 =	simm.s32 @!p0 $0x0  }
0x12: {  	s1 =	sld [smem:$0x3F9E];
	s0 =	simm.s32 @p0 $0x1  }
0x13: {  	[smem:$0x3FB9] =	sst s0;
	s0 =	simm.s32 @!p1 $0x0  }
0x14: {  	s2 =	sld [smem:$0x3F9D];
	s0 =	simm.s32 @p1 $0x1  }
0x15: {  	[smem:$0x3FBA] =	sst s0;
	s0 =	simm.s32 @!p2 $0x0  }
0x16: {  	s3 =	sld [smem:$0x3FDB];
	s0 =	simm.s32 @p2 $0x1  }
0x17: {  	s4 =	simm.s32 $0x1BF5;
	[smem:$0x3FBC] =	sst s0  }
0x18: {  	s0 =	sld [smem:$0x3F9F];
	_ =	swait.ge [sflag:s4], $0x0  }
0x19: {  	s7 =	sld [smem:$0x3FA0]  }
0x1a: {  	s8 =	sadd.s32 $0xFFFFE003, lr  }
0x1b: {  	s9 =	sadd.s32 $0xFFFFFEF7, lr;
	s5 =	simm.s32 $0xFFFFFFFF;
	p2 =	slt.u32 s8, $0xFFFFF086  }
0x1c: {  	p1 =	slt.u32 s9, $0xF7A;
	s5 =	simm.s32 @!p2 $0x0  }
0x1d: {  	s5 =	simm.s32 @p1 $0x1;
	p0 =	seq.s32 s7, s2  }
0x1e: {  	s7 =	smul.u32 @!p0 $0xF7A, s2;
	p2 =	seq.s32 @!p0 s5, $0x0  }
0x1f: {  	s9 =	smul.u32 $0xF7A, s1;
	s8 =	simm.s32 @!p0 $0x1BF5;
	p2 =	por !p2, p0  }
0x20: {  	[sflag:s8] =	ssyncset.s32 @!p0 $0xFFFFF086;
	s6 =	sadd.s32 @!p0 s3, s7;
	s7 =	simm.s32 @!p0 $0x108  }
0x21: {  	s3 =	sadd.s32 s3, s9;
	s6 =	sadd.s32 @!p0 $0x88, s6;
	s7 =	simm.s32 @p2 $0x1082  }
0x22: {  	[simem:s7], [sflag:s8] =	dma.local @!p0 [hbm:s6], $0xF7A  }
0x23: {  	s9 =	sor.u32 $0xD0000000, s2;
	s6 =	simm.s32 $0x108;
	_ =	swait.ge @!p0 [sflag:s8], $0x0  }
0x24: {  	s3 =	sadd.s32 $0x88, s3;
	s6 =	simm.s32 @!p1 $0x1082;
	[sflag:s4] =	ssyncset.s32 $0xFFFFF086  }
0x25: {  	[simem:s6], [sflag:s4] =	dma.local [hbm:s3], $0xF7A  }
0x26: {  	[smem:$0x3FA0] =	sst s1;
	(tag) =	ssettag s2;
	_ =	strace s9  }
0x27: {  	s1 =	sld [smem:$0x3FB0]  }
0x28: {  	s2 =	sld [smem:$0x3FB1]  }
0x29: {  	s4 =	sld [smem:$0x3FB3]  }
0x2a: {  	p0 =	seq.s32 s5, $0x0;
	s5 =	sld [smem:$0x3FB4]  }
0x2b: {  	s6 =	sld [smem:$0x3FB5]  }
0x2c: {  	s7 =	sld [smem:$0x3FB6]  }
0x2d: {  	s3 =	simm.s32 $0x108;
	s8 =	sld [smem:$0x3FB7]  }
0x2e: {  	s3 =	simm.s32 @!p0 $0x1082;
	s9 =	sld [smem:$0x3FB8]  }
0x2f: {  	lr =	sadd.s32 s0, s3;
	s0 =	sld [smem:$0x3FAF]  }
0x30: {  	s3 =	sld [smem:$0x3FB2]  }
0x31: {  	[smem:$0x3FBB] =	sst s10  }
0x32: {  	s10 =	sld [smem:$0x3FB9];
	_ =	sdelay $0x3  }
0x33: {  	p0 =	seq.s32 s10, $0x1;
	s10 =	sld [smem:$0x3FBB];
	_ =	sdelay $0x3  }
0x34: {  	[smem:$0x3FBB] =	sst s10  }
0x35: {  	s10 =	sld [smem:$0x3FBA];
	_ =	sdelay $0x3  }
0x36: {  	p1 =	seq.s32 s10, $0x1;
	s10 =	sld [smem:$0x3FBB];
	_ =	sdelay $0x3  }
0x37: {  	[smem:$0x3FBB] =	sst s10  }
0x38: {  	s10 =	sld [smem:$0x3FBC]  }
0x39: {  	_ = 	snop;
	(pc) =	sbr.ind lr, $3  }
0x3a: {  	_ = 	snop  }
0x3b: {  	_ = 	snop  }
0x3c: {  	p2 =	seq.s32 s10, $0x1;
	s10 =	sld [smem:$0x3FBB]  }
0x3d: {  	_ =	shalt  }
0x3e: {  	_ =	shalt  }
0x3f: {  	_ =	shalt  }
0x40: {  	_ =	shalt  }
0x41: {  	_ =	shalt  }
0x42: {  	_ =	shalt  }
0x43: {  	_ =	shalt  }
0x44: {  	_ =	shalt  }
0x45: {  	_ =	shalt  }
0x46: {  	_ =	shalt  }
0x47: {  	_ =	shalt  }
0x48: {  	_ =	shalt  }
0x49: {  	_ =	shalt  }
0x4a: {  	_ =	shalt  }
0x4b: {  	_ =	shalt  }
0x4c: {  	_ =	shalt  }
0x4d: {  	_ =	shalt  }
0x4e: {  	_ =	shalt  }
0x4f: {  	_ =	shalt  }
0x50: {  	_ =	shalt  }
0x51: {  	_ =	shalt  }
0x52: {  	_ =	shalt  }
0x53: {  	_ =	shalt  }
0x54: {  	_ =	shalt  }
0x55: {  	_ =	shalt  }
0x56: {  	_ =	shalt  }
0x57: {  	_ =	shalt  }
0x58: {  	_ =	shalt  }
0x59: {  	_ =	shalt  }
0x5a: {  	_ =	shalt  }
0x5b: {  	_ =	shalt  }
0x5c: {  	_ =	shalt  }
0x5d: {  	_ =	shalt  }
0x5e: {  	_ =	shalt  }
0x5f: {  	_ =	shalt  }
0x60: {  	_ =	shalt  }
0x61: {  	_ =	shalt  }
0x62: {  	_ =	shalt  }
0x63: {  	_ =	shalt  }
0x64: {  	_ =	shalt  }
0x65: {  	_ =	shalt  }
0x66: {  	_ =	shalt  }
0x67: {  	_ =	shalt  }
0x68: {  	_ =	shalt  }
0x69: {  	_ =	shalt  }
0x6a: {  	_ =	shalt  }
0x6b: {  	_ =	shalt  }
0x6c: {  	_ =	shalt  }
0x6d: {  	_ =	shalt  }
0x6e: {  	_ =	shalt  }
0x6f: {  	_ =	shalt  }
0x70: {  	_ =	shalt  }
0x71: {  	_ =	shalt  }
0x72: {  	_ =	shalt  }
0x73: {  	_ =	shalt  }
0x74: {  	_ =	shalt  }
0x75: {  	_ =	shalt  }
0x76: {  	_ =	shalt  }
0x77: {  	_ =	shalt  }
0x78: {  	_ =	shalt  }
0x79: {  	_ =	shalt  }
0x7a: {  	_ =	shalt  }
0x7b: {  	_ =	shalt  }
0x7c: {  	_ =	shalt  }
0x7d: {  	_ =	shalt  }
0x7e: {  	_ =	shalt  }
0x7f: {  	_ =	shalt  }
0x80: {  	_ =	shalt  }
0x81: {  	_ =	shalt  }
0x82: {  	_ =	shalt  }
0x83: {  	_ =	shalt  }
0x84: {  	_ =	shalt  }
0x85: {  	_ =	shalt  }
0x86: {  	_ =	shalt  }
0x87: {  	_ =	shalt  }
.Lfunc_end0:
.L_simem_size_0:
called_computation_lowered:
.L_overlay_start_0:
0x88: {  	s2 =	sld [smem:$0x3FD9]  }
0x89: {  	s3 =	sld [smem:$0x3FFE];
	_ =	sdelay $0x1  }
0x8a: {  	s1 =	srdreg.scid  }
0x8b: {  	s0 =	sand.u32 $0x1, s1  }
0x8c: {  	s17 =	sshll.u32 s0, $0xA;
	s2 =	sadd.s32 s3, s2  }
0x8d: {  	s2 =	sadd.s32 s2, s17  }
0x8e: {  	[smem:$0x3FC7] =	sst s2  }
0x8f: {  	_ = 	snop  }
0x90: {  	s2 =	sld [smem:$0x3FD0];
	(tm) =	ssettm $0x1  }
0x91: {  	s18 =	sld [smem:$0x3FFB];
	_ =	sdelay $0x3  }
0x92: {  	_ =	strace s18  }
0x93: {  	s3 =	sld [smem:$0x3FFC];
	_ =	sdelay $0x3  }
0x94: {  	_ =	strace s3  }
0x95: {  	s3 =	sld [smem:$0x3FFD];
	_ =	sdelay $0x3  }
0x96: {  	_ =	strace s3  }
0x97: {  	_ =	strace $0x8FFFFFFF  }
0x98: {  	s19 =	sld [smem:$0x3FDB];
	_ =	sdelay $0x1  }
0x99: {  	s4 =	simm.s32 $_scs_section_size  }
0x9a: {  	s5 =	simm.s32 $_size__tile_overlayer_lowered;
	s6 =	simm.s32 $_tile_overlayer_lowered  }
0x9b: {  	s22 =	simm.s32 $0x1BFF;
	s21 =	sshll.u32 s6, $0x1;
	s3 =	sadd.s32 s4, s19  }
0x9c: {  	s7 =	simm.s32 $0x0;
	s20 =	sshll.u32 s5, $0x1;
	s5 =	sadd.s32 s21, s3  }
0x9d: {  	[timem:s7], [sflag:s22] =	dma.local [hbm:s5], s20  }
0x9e: {  	_ =	swait.ge [sflag:s22], s20  }
0x9f: {  	s4 =	ssub.s32 $0x0, s20;
	[sflag:s22] =	ssyncset.done $0x0  }
0xa0: {  	[sflag:s22] =	ssyncadd.s32 s4;
	_ =	sdelay $0x1  }
0xa1: {  	s23 =	simm.s32 $0x1B8B  }
0xa2: {  	_ =	swait.ge [sflag:s23], $0x1  }
0xa3: {  	[sflag:s23] =	ssyncset.done $0x0  }
0xa4: {  	s25 =	simm.s32 $0x1B8E;
	s24 =	sld [smem:$0x3FFE];
	[sflag:s23] =	ssyncadd.s32 $0xFFFFFFFF  }
0xa5: {  	s26 =	simm.s32 $execute0_lowered;
	[smem:$0x3FD2] =	sst s25  }
0xa6: {  	s5 =	sshll.u32 s26, $0x1;
	_ =	strace $0x80000046;
	[dreg:$0x1] =	wrdreg $0xFFFFFFFF  }
0xa7: {  	s28 =	simm.s32 $_size_execute0_lowered;
	s3 =	sadd.s32 s3, s5;
	[dreg:$0x0] =	wrdreg $0x0  }
0xa8: {  	s5 =	sshll.u32 s28, $0x1;
	[dreg:$0x2] =	wrdreg s3  }
0xa9: {  	[dreg:$0x3] =	wrdreg s5  }
0xaa: {  	[dreg:$0x4] =	wrdreg $0xC0  }
0xab: {  	_ =	task [dreg:s7], $0x5FFFF  }
0xac: {  	[dreg:$0x1] =	wrdreg $0xFFFFFFFF  }
0xad: {  	[dreg:$0x0] =	wrdreg $0x60  }
0xae: {  	[dreg:$0x2] =	wrdreg s24  }
0xaf: {  	[dreg:$0x3] =	wrdreg s2  }
0xb0: {  	[dreg:$0x4] =	wrdreg $0x94000  }
0xb1: {  	[dreg:$0x5] =	wrdreg $0x9  }
0xb2: {  	_ =	task.clear_ibuf [dreg:s7], $0x6FFFF;
	_ =	strace $0x90000046  }
0xb3: {  	s29 =	simm.s32 $0x9;
	_ =	strace $0x80000048  }
0xb4: {  	_ =	swait.ge [sflag:s29], $0x1  }
0xb5: {  	[sflag:s29] =	ssyncadd.s32 $0xFFFFFFFF  }
0xb6: {  	_ =	strace $0x90000048  }
0xb7: {  	_ =	sfence  }
0xb8: {  	s30 =	sld [smem:$0x0];
	_ =	sdelay $0x2  }
0xb9: {  	s31 =	sshll.u32 s1, $0xD;
	s1 =	sshrl.u32 s1, $0x2  }
0xba: {  	s3 =	sand.u32 $0x4000, s31;
	s1 =	sadd.s32 s1, s30  }
0xbb: {  	s0 =	sor.u32 s3, s0;
	s1 =	sshll.u32 s1, $0x11  }
0xbc: {  	s0 =	sor.u32 s1, s0  }
0xbd: {  	s0 =	sadd.s32 $0x8F2B, s0  }
0xbe: {  	[sflag:s0] =	ssyncadd.remote.s32 $0x1  }
0xbf: {  	_ =	sfence.sel $0xFFFF  }
0xc0: {  	[dreg:$0x0] =	wrdreg $0xFFFFFFFF;
	(pc) =	sbr.abs _section_cstart, $3  }
0xc1: {  	[dreg:$0x1] =	wrdreg $0xFFFFFFFF  }
0xc2: {  	_ =	task.clear_ibuf [dreg:s7], $0x2FFFF;
	_ =	strace $0x9FFFFFFF  }
0xc3: {  	(tm) =	ssettm $0x7FFFFFFF  }
tec
execute0_lowered:
.L_overlay_start_1:
0x0: {  	(tag) =	ssettag $0x1  }
0x1: {  	s0 =	rddreg [dreg:$0x0]  }
0x2: {  	s2 =	rddreg [dreg:$0x2];
	s3 =	simm.s32 $0x0  }
0x3: {  	s1 =	srdreg.scid;
	s11 =	stileid.u32;
	s30 =	simm.s32 $0x6F00  }
0x4: {  	s31 =	simm.s32 $0x5;
	s28 =	simm.s32 $0x2;
	s29 =	simm.s32 $0x0  }
0x5: {  	[smem:$0x7FF] =	sst s3;
	s1 =	sand.u32 $0x1, s1;
	s7 =	sshll.u32 s11, $0x10  }
0x6: {  	s5 =	sadd.s32 $0x1E84E00, s0;
	_ =	strace $0x80000047;
	s4 =	sshll.u32 s1, $0x4  }
0x7: {  	s6 =	sshll.u32 s1, $0x14;
	s1 =	ssub.s32 $0x2, s1;
	s13 =	sadd.s32 s7, s2  }
0x8: {  	s4 =	sor.u32 s11, s4;
	s12 =	sadd.s32 $0x2000, s13;
	[dreg:$0x4] =	wrdreg s13  }
0x9: {  	s6 =	sor.u32 s7, s6;
	s14 =	sadd.s32 $0x3000, s13;
	[dreg:$0xc] =	wrdreg s12  }
0xa: {  	s23 =	sshrl.u32 s1, $0x1;
	s15 =	sadd.s32 $0x4000, s13;
	[dreg:$0xd] =	wrdreg s14  }
0xb: {  	s11 =	smul.u32 $0xE, s11;
	s16 =	sadd.s32 $0x5000, s13;
	[dreg:$0xe] =	wrdreg s15  }
0xc: {  	s17 =	sadd.s32 $0x6000, s13;
	s18 =	sadd.s32 $0x7000, s13;
	[dreg:$0xf] =	wrdreg s16  }
0xd: {  	s19 =	sadd.s32 $0x8000, s13;
	s20 =	sadd.s32 $0x9000, s13;
	[dreg:$0x10] =	wrdreg s17  }
0xe: {  	s21 =	sadd.s32 $0xA000, s13;
	s22 =	sadd.s32 $0xB000, s13;
	[dreg:$0x11] =	wrdreg s18  }
0xf: {  	s7 =	simm.s32 $0x7380;
	s8 =	smul.u32 $0xD59C, s4;
	[dreg:$0x12] =	wrdreg s19  }
0x10: {  	s6 =	sshrl.u32 s6, $0x3;
	s9 =	smul.u32 $0x6ACE0, s4;
	[dreg:$0x13] =	wrdreg s20  }
0x11: {  	s10 =	smul.u32 $0xF420, s4;
	s1 =	ssub.s32 s1, s23;
	[dreg:$0x14] =	wrdreg s21  }
0x12: {  	[dreg:$0x15] =	wrdreg s22;
	p0 =	sgt.u32 s4, $0x7;
	s23 =	sadd.s32 $0xC000, s13  }
0x13: {  	s4 =	simm.s32 $0x80;
	s15 =	simm.s32 $0x7580;
	s16 =	simm.s32 $0x7600  }
0x14: {  	s17 =	simm.s32 $0x7680;
	s18 =	simm.s32 $0x7700;
	s19 =	simm.s32 $0x7780  }
0x15: {  	s20 =	simm.s32 $0x7800;
	s21 =	simm.s32 $0x7880;
	s22 =	simm.s32 $0x7900  }
0x16: {  	s0 =	sadd.s32 s6, s0;
	s26 =	sadd.s32 s11, s5;
	s11 =	sadd.s32 $0x1000, s13  }
0x17: {  	[dreg:$0x16] =	wrdreg s23;
	s23 =	simm.s32 $0x7980;
	s24 =	sshrl.u32 s9, $0x3  }
0x18: {  	s25 =	sadd.s32 s5, s8;
	s9 =	sadd.s32 $0xFC0, s10;
	[dreg:$0xb] =	wrdreg s11  }
0x19: {  	s8 =	sadd.s32 $0x17A0, s10;
	s0 =	sadd.s32 $0x600, s0;
	[dreg:$0x5] =	wrdreg s25  }
0x1a: {  	s10 =	smax.u32 s1, $0x1;
	s1 =	simm.s32 $0x3780;
	[dreg:$0x7] =	wrdreg s8  }
0x1b: {  	s11 =	simm.s32 $0x1;
	s6 =	sadd.s32 s5, s24;
	[dreg:$0x9] =	wrdreg s0  }
0x1c: {  	[dreg:$0xa] =	wrdreg s10;
	s24 =	sadd.s32 $0xD000, s13;
	s25 =	sadd.s32 $0xE000, s13  }
.Ltmp0:
0x1d: {  	s8 =	simm.s32 $0x8380;
	[dreg:$0x17] =	wrdreg s24;
	(pc) =	sbr.rel .LBB2_1-.Ltmp0, $4  }
0x1e: {  	v0 =	vlaneseq.u32;
	s0 =	simm.s32 $0x4;
	s6 =	sadd.s32 $0x6E4, s6;
	[dreg:$0x18] =	wrdreg s25  }
0x1f: {  	v0 =	vmul.u32 $0x7, v0;
	s24 =	simm.s32 $0x7A00;
	[dreg:$0x6] =	wrdreg s6;
	s6 =	sadd.s32 $0x1AB380, s26  }
0x20: {  	v1 =	vimm.f32 $1.000000000e+00;
	v2 =	vimm.s32 $0x100000;
	s25 =	simm.s32 $0x7A80;
	s26 =	sadd.s32 $0xF000, s13;
	[dreg:$0x8] =	wrdreg s6  }
0x21: {  	v3 =	vimm.f32 $0.0e+00;
	v5 =	vimm.s32 $0x0;
	v4 =	vadd.s32 $0x2, v0;
	[dreg:$0x19] =	wrdreg s26;
	s26 =	simm.s32 $0x7B00;
	s6 =	simm.s32 $0x3  }
.LBB2_13:
0x22: {  	s10 =	stileid.u32;
	[bflag:$0x0] =	sbarrier.arrive $0xFFFF  }
0x23: {  	s10 =	sshll.u32 s10, $0x6;
	s13 =	rddreg [dreg:$0x4]  }
0x24: {  	s14 =	rddreg [dreg:$0x9];
	s10 =	sor.u32 $0x1C05, s10;
	s12 =	sshrl.u32 s13, $0x3  }
0x25: {  	[hbm:s14], [sflag:s10] =	dma.local [spmem:s12], $0x2000  }
0x26: {  	_ =	swait.ge [sflag:s31], $0x2000  }
0x27: {  	s29 =	sadd.s32 $0x1, s29;
	s14 =	rddreg [dreg:$0xa]  }
0x28: {  	p1 =	sne.s32 s29, s14  }
.Ltmp1:
0x29: {  	_ = 	snop;
	(pc) =	sbr.rel @!p1 .LBB2_14-.Ltmp1, $3  }
0x2a: {  	_ =	sdelay $0x1  }
0x2b: {  	[sflag:s31] =	ssyncset.done $0x0  }
0x2c: {  	[sflag:s31] =	ssyncadd.s32 $0xFFFFE000  }
.LBB2_1:
0x2d: {  	[dreg:$0x1a] =	wrdreg s29  }
0x2e: {  	s10 =	rddreg [dreg:$0x1]  }
0x2f: {  	[tilespmem:s30], [sflag:$0x5] =	stream.linear.gather [hbm4b:s10+s3], $0x480, $0x38;
	[tilespmem:$0x19408] =	vst v63  }
0x30: {  	_ =	swait.ge [sflag:s31], $0x480  }
0x31: {  	[sflag:s31] =	ssyncset.done $0x0  }
0x32: {  	[sflag:s31] =	ssyncadd.s32 $0xFFFFFB80  }
0x33: {  	[tilespmem:$0x8380] =	vst v1  }
0x34: {  	[tilespmem:$0x7B60] =	vst v2  }
0x35: {  	[tilespmem:$0x8360] =	vst v2  }
0x36: {  	[tilespmem:$0x8390] =	vst v1  }
0x37: {  	[tilespmem:$0x7B70] =	vst v2  }
0x38: {  	[tilespmem:$0x8370] =	vst v2  }
0x39: {  	[tilespmem:$0x83A0] =	vst v1  }
0x3a: {  	[tilespmem:$0x83B0] =	vst v1  }
0x3b: {  	[tilespmem:$0x83C0] =	vst v1  }
0x3c: {  	[tilespmem:$0x83D0] =	vst v1  }
0x3d: {  	[tilespmem:$0x83E0] =	vst v1  }
0x3e: {  	s12 =	simm.s32 $0x0;
	s10 =	simm.s32 $0x40;
	[tilespmem:$0x83F0] =	vst v1  }
.LBB2_2:
0x3f: {  	p1 =	sne.s32 s10, $0x3FC0;
	[tilespmem:s12+$0x8400] =	vst v3;
	s12 =	smov.u32 s10;
	s10 =	sadd.s32 $0x40, s10  }
.Ltmp2:
0x40: {  	(pc) =	sbr.rel @p1 .LBB2_2-.Ltmp2, $2  }
0x41: {  	_ =	sdelay $0x2  }
0x42: {  	s12 =	sshra.s32 s12, $0x2  }
0x43: {  	[tilespmem:s12+$0x8400] =	vst v3;
	s12 =	simm.s32 $0x8400  }
0x44: {  	[spmem:s13] =	stream.linear.scatter [tilespmem:s12], [sflag:$0x5], $0x1000, $0x38;
	[tilespmem:$0x19408] =	vst v63  }
0x45: {  	_ =	swait.ge [sflag:s31], $0x1000  }
0x46: {  	[sflag:s31] =	ssyncset.done $0x0  }
0x47: {  	s10 =	rddreg [dreg:$0xb];
	[sflag:s31] =	ssyncadd.s32 $0xFFFFF000  }
0x48: {  	[spmem:s10] =	stream.linear.scatter [tilespmem:s12], [sflag:$0x5], $0x1000, $0x38;
	[tilespmem:$0x19408] =	vst v63  }
0x49: {  	_ =	swait.ge [sflag:s31], $0x1000  }
0x4a: {  	[sflag:s31] =	ssyncset.done $0x0  }
0x4b: {  	s13 =	rddreg [dreg:$0xc];
	[sflag:s31] =	ssyncadd.s32 $0xFFFFF000  }
0x4c: {  	[spmem:s13] =	stream.linear.scatter [tilespmem:s12], [sflag:$0x5], $0x1000, $0x38;
	[tilespmem:$0x19408] =	vst v63  }
0x4d: {  	_ =	swait.ge [sflag:s31], $0x1000  }
0x4e: {  	[sflag:s31] =	ssyncset.done $0x0  }
0x4f: {  	s14 =	rddreg [dreg:$0xd];
	[sflag:s31] =	ssyncadd.s32 $0xFFFFF000  }
0x50: {  	[spmem:s14] =	stream.linear.scatter [tilespmem:s12], [sflag:$0x5], $0x1000, $0x38;
	[tilespmem:$0x19408] =	vst v63  }
0x51: {  	_ =	swait.ge [sflag:s31], $0x1000  }
0x52: {  	[sflag:s31] =	ssyncset.done $0x0  }
0x53: {  	s13 =	rddreg [dreg:$0xe];
	[sflag:s31] =	ssyncadd.s32 $0xFFFFF000  }
0x54: {  	[spmem:s13] =	stream.linear.scatter [tilespmem:s12], [sflag:$0x5], $0x1000, $0x38;
	[tilespmem:$0x19408] =	vst v63  }
0x55: {  	_ =	swait.ge [sflag:s31], $0x1000  }
0x56: {  	[sflag:s31] =	ssyncset.done $0x0  }
0x57: {  	s14 =	rddreg [dreg:$0xf];
	[sflag:s31] =	ssyncadd.s32 $0xFFFFF000  }
0x58: {  	[spmem:s14] =	stream.linear.scatter [tilespmem:s12], [sflag:$0x5], $0x1000, $0x38;
	[tilespmem:$0x19408] =	vst v63  }
0x59: {  	_ =	swait.ge [sflag:s31], $0x1000  }
0x5a: {  	[sflag:s31] =	ssyncset.done $0x0  }
0x5b: {  	s13 =	rddreg [dreg:$0x10];
	[sflag:s31] =	ssyncadd.s32 $0xFFFFF000  }
0x5c: {  	[spmem:s13] =	stream.linear.scatter [tilespmem:s12], [sflag:$0x5], $0x1000, $0x38;
	[tilespmem:$0x19408] =	vst v63  }
0x5d: {  	_ =	swait.ge [sflag:s31], $0x1000  }
0x5e: {  	[sflag:s31] =	ssyncset.done $0x0  }
0x5f: {  	s14 =	rddreg [dreg:$0x11];
	[sflag:s31] =	ssyncadd.s32 $0xFFFFF000  }
0x60: {  	[spmem:s14] =	stream.linear.scatter [tilespmem:s12], [sflag:$0x5], $0x1000, $0x38;
	[tilespmem:$0x19408] =	vst v63  }
0x61: {  	_ =	swait.ge [sflag:s31], $0x1000  }
0x62: {  	[sflag:s31] =	ssyncset.done $0x0  }
0x63: {  	s13 =	rddreg [dreg:$0x12];
	[sflag:s31] =	ssyncadd.s32 $0xFFFFF000  }
0x64: {  	[spmem:s13] =	stream.linear.scatter [tilespmem:s12], [sflag:$0x5], $0x1000, $0x38;
	[tilespmem:$0x19408] =	vst v63  }
0x65: {  	_ =	swait.ge [sflag:s31], $0x1000  }
0x66: {  	[sflag:s31] =	ssyncset.done $0x0  }
0x67: {  	s14 =	rddreg [dreg:$0x13];
	[sflag:s31] =	ssyncadd.s32 $0xFFFFF000  }
0x68: {  	[spmem:s14] =	stream.linear.scatter [tilespmem:s12], [sflag:$0x5], $0x1000, $0x38;
	[tilespmem:$0x19408] =	vst v63  }
0x69: {  	_ =	swait.ge [sflag:s31], $0x1000  }
0x6a: {  	[sflag:s31] =	ssyncset.done $0x0  }
0x6b: {  	s13 =	rddreg [dreg:$0x14];
	[sflag:s31] =	ssyncadd.s32 $0xFFFFF000  }
0x6c: {  	[spmem:s13] =	stream.linear.scatter [tilespmem:s12], [sflag:$0x5], $0x1000, $0x38;
	[tilespmem:$0x19408] =	vst v63  }
0x6d: {  	_ =	swait.ge [sflag:s31], $0x1000  }
0x6e: {  	[sflag:s31] =	ssyncset.done $0x0  }
0x6f: {  	s14 =	rddreg [dreg:$0x15];
	[sflag:s31] =	ssyncadd.s32 $0xFFFFF000  }
0x70: {  	[spmem:s14] =	stream.linear.scatter [tilespmem:s12], [sflag:$0x5], $0x1000, $0x38;
	[tilespmem:$0x19408] =	vst v63  }
0x71: {  	_ =	swait.ge [sflag:s31], $0x1000  }
0x72: {  	[sflag:s31] =	ssyncset.done $0x0  }
0x73: {  	s13 =	rddreg [dreg:$0x16];
	[sflag:s31] =	ssyncadd.s32 $0xFFFFF000  }
0x74: {  	[spmem:s13] =	stream.linear.scatter [tilespmem:s12], [sflag:$0x5], $0x1000, $0x38;
	[tilespmem:$0x19408] =	vst v63  }
0x75: {  	_ =	swait.ge [sflag:s31], $0x1000  }
0x76: {  	[sflag:s31] =	ssyncset.done $0x0  }
0x77: {  	s14 =	rddreg [dreg:$0x17];
	[sflag:s31] =	ssyncadd.s32 $0xFFFFF000  }
0x78: {  	[spmem:s14] =	stream.linear.scatter [tilespmem:s12], [sflag:$0x5], $0x1000, $0x38;
	[tilespmem:$0x19408] =	vst v63  }
0x79: {  	_ =	swait.ge [sflag:s31], $0x1000  }
0x7a: {  	[sflag:s31] =	ssyncset.done $0x0  }
0x7b: {  	s13 =	rddreg [dreg:$0x18];
	[sflag:s31] =	ssyncadd.s32 $0xFFFFF000  }
0x7c: {  	[spmem:s13] =	stream.linear.scatter [tilespmem:s12], [sflag:$0x5], $0x1000, $0x38;
	[tilespmem:$0x19408] =	vst v63  }
0x7d: {  	_ =	swait.ge [sflag:s31], $0x1000  }
0x7e: {  	[sflag:s31] =	ssyncset.done $0x0  }
0x7f: {  	s14 =	rddreg [dreg:$0x19];
	[sflag:s31] =	ssyncadd.s32 $0xFFFFF000  }
0x80: {  	[spmem:s14] =	stream.linear.scatter [tilespmem:s12], [sflag:$0x5], $0x1000, $0x38;
	[tilespmem:$0x19408] =	vst v63  }
0x81: {  	_ =	swait.ge [sflag:s31], $0x1000  }
0x82: {  	[sflag:s31] =	ssyncset.done $0x0  }
0x83: {  	[sflag:s31] =	ssyncadd.s32 $0xFFFFF000  }
.Ltmp3:
0x84: {  	[bflag:$0x0] =	sbarrier.arrive $0xFFFF;
	(pc) =	sbr.rel .LBB2_4-.Ltmp3, $4  }
0x85: {  	s29 =	simm.s32 $0x0;
	s13 =	rddreg [dreg:$0x5]  }
0x86: {  	[tilespmem:s29], [sflag:$0x1] =	stream.linear.gather [hbm4b:s13+s29], $0x3720, $0x38;
	[tilespmem:$0x19408] =	vst v63  }
0x87: {  	s10 =	simm.s32 $0x0;
	s14 =	rddreg [dreg:$0x6]  }
0x88: {  	[tilespmem:s1], [sflag:$0x2] =	stream.linear.gather [hbm4b:s14+s29], $0x3720, $0x38;
	[tilespmem:$0x19408] =	vst v63  }
.LBB2_10:
0x89: {  	s10 =	sadd.s32 $0x1, s10  }
0x8a: {  	p1 =	sne.s32 s10, $0x10  }
.Ltmp4:
0x8b: {  	_ = 	snop;
	(pc) =	sbr.rel @!p1 .LBB2_11-.Ltmp4, $1  }
0x8c: {  	_ =	sdelay $0x3  }
.LBB2_4:
0x8d: {  	p1 =	seq.s32 s10, $0x0  }
0x8e: {  	s12 =	simm.s32 @!p1 $0x3  }
0x8f: {  	_ =	swait.ge @!p1 [sflag:s12], $0x80  }
0x90: {  	[sflag:s12] =	ssyncset.done @!p1 $0x0  }
0x91: {  	[sflag:s12] =	ssyncadd.s32 @!p1 $0xFFFFFF80  }
0x92: {  	_ =	swait.ge @!p1 [sflag:s12], $0x80  }
0x93: {  	[sflag:s12] =	ssyncset.done @!p1 $0x0  }
0x94: {  	[sflag:s12] =	ssyncadd.s32 @!p1 $0xFFFFFF80  }
0x95: {  	_ =	swait.ge @!p1 [sflag:s12], $0x80  }
0x96: {  	[sflag:s12] =	ssyncset.done @!p1 $0x0  }
0x97: {  	[sflag:s12] =	ssyncadd.s32 @!p1 $0xFFFFFF80  }
0x98: {  	_ =	swait.ge @!p1 [sflag:s12], $0x80  }
0x99: {  	[sflag:s12] =	ssyncset.done @!p1 $0x0  }
0x9a: {  	[sflag:s12] =	ssyncadd.s32 @!p1 $0xFFFFFF80  }
0x9b: {  	_ =	swait.ge @!p1 [sflag:s12], $0x80  }
0x9c: {  	[sflag:s12] =	ssyncset.done @!p1 $0x0  }
0x9d: {  	[sflag:s12] =	ssyncadd.s32 @!p1 $0xFFFFFF80  }
0x9e: {  	_ =	swait.ge @!p1 [sflag:s12], $0x80  }
0x9f: {  	[sflag:s12] =	ssyncset.done @!p1 $0x0  }
0xa0: {  	[sflag:s12] =	ssyncadd.s32 @!p1 $0xFFFFFF80  }
0xa1: {  	_ =	swait.ge @!p1 [sflag:s12], $0x80  }
0xa2: {  	[sflag:s12] =	ssyncset.done @!p1 $0x0  }
0xa3: {  	[sflag:s12] =	ssyncadd.s32 @!p1 $0xFFFFFF80  }
0xa4: {  	_ =	swait.ge @!p1 [sflag:s12], $0x80  }
0xa5: {  	[sflag:s12] =	ssyncset.done @!p1 $0x0  }
0xa6: {  	[sflag:s12] =	ssyncadd.s32 @!p1 $0xFFFFFF80  }
0xa7: {  	_ =	swait.ge @!p1 [sflag:s12], $0x80  }
0xa8: {  	[sflag:s12] =	ssyncset.done @!p1 $0x0  }
0xa9: {  	[sflag:s12] =	ssyncadd.s32 @!p1 $0xFFFFFF80  }
0xaa: {  	_ =	swait.ge @!p1 [sflag:s12], $0x80  }
0xab: {  	[sflag:s12] =	ssyncset.done @!p1 $0x0  }
0xac: {  	[sflag:s12] =	ssyncadd.s32 @!p1 $0xFFFFFF80  }
0xad: {  	_ =	swait.ge @!p1 [sflag:s12], $0x80  }
0xae: {  	[sflag:s12] =	ssyncset.done @!p1 $0x0  }
0xaf: {  	[sflag:s12] =	ssyncadd.s32 @!p1 $0xFFFFFF80  }
0xb0: {  	_ =	swait.ge @!p1 [sflag:s12], $0x80  }
0xb1: {  	[sflag:s12] =	ssyncset.done @!p1 $0x0  }
0xb2: {  	[sflag:s12] =	ssyncadd.s32 @!p1 $0xFFFFFF80  }
0xb3: {  	_ =	swait.ge @!p1 [sflag:s12], $0x80  }
0xb4: {  	[sflag:s12] =	ssyncset.done @!p1 $0x0  }
0xb5: {  	[sflag:s12] =	ssyncadd.s32 @!p1 $0xFFFFFF80  }
0xb6: {  	_ =	swait.ge @!p1 [sflag:s12], $0x80  }
0xb7: {  	[sflag:s12] =	ssyncset.done @!p1 $0x0  }
0xb8: {  	[sflag:s12] =	ssyncadd.s32 @!p1 $0xFFFFFF80  }
0xb9: {  	_ =	swait.ge @!p1 [sflag:s12], $0x80  }
0xba: {  	[sflag:s12] =	ssyncset.done @!p1 $0x0  }
0xbb: {  	[sflag:s12] =	ssyncadd.s32 @!p1 $0xFFFFFF80  }
0xbc: {  	_ =	swait.ge @!p1 [sflag:s12], $0x80  }
0xbd: {  	v6 =	vadd.s32 s29, v0;
	[sflag:s12] =	ssyncset.done @!p1 $0x0  }
0xbe: {  	v7 =	vadd.s32 s29, v4;
	[sflag:s12] =	ssyncadd.s32 @!p1 $0xFFFFFF80  }
0xbf: {  	_ =	swait.ge [sflag:s11], $0x3720  }
0xc0: {  	[sflag:s11] =	ssyncset.done $0x0  }
0xc1: {  	[sflag:s11] =	ssyncadd.s32 $0xFFFFC8E0  }
0xc2: {  	v6 =	vld.idx.msk [tilespmem:v6+s3+$0x0], $0xffff  }
0xc3: {  	v7 =	vld.idx.msk [tilespmem:v7+s3+$0x0], $0xffff;
	_ =	sdelay $0x3  }
0xc4: {  	v8 =	vshrl.u32 v6, $0x10  }
0xc5: {  	v9 =	vshrl.u32 v7, $0x10;
	v8 =	vand.u32 $0x1, v8  }
0xc6: {  	v6 =	vadd.s32 v8, v6;
	v8 =	vand.u32 $0x1, v9  }
0xc7: {  	v6 =	vadd.s32 $0x7FFF, v6;
	v7 =	vadd.s32 v8, v7  }
0xc8: {  	v6 =	vand.u32 $0xFFFF0000, v6;
	v7 =	vadd.s32 $0x7FFF, v7  }
0xc9: {  	v6 =	vadd.f32 $-1.000000050e-03, v6;
	v7 =	vand.u32 $0xFFFF0000, v7  }
0xca: {  	v7 =	vadd.f32 $2.000000090e-03, v7  }
0xcb: {  	v8 =	vadd.f32 $5.120000240e-01, v6  }
0xcc: {  	v9 =	vadd.f32 $5.120000240e-01, v7  }
0xcd: {  	v8 =	vmul.f32 $1.000000000e+03, v8  }
0xce: {  	v9 =	vmul.f32 $1.000000000e+03, v9  }
0xcf: {  	v8 =	vmax.f32 v8, $0.0e+00  }
0xd0: {  	v8 =	vmin.f32 v8, $1.023000000e+03;
	v9 =	vmax.f32 v9, $0.0e+00  }
0xd1: {  	v8 =	vtrunc.f32 v8;
	v9 =	vmin.f32 v9, $1.023000000e+03  }
0xd2: {  	v8 =	vcvt.f32.s32 v8;
	v9 =	vtrunc.f32 v9  }
0xd3: {  	v9 =	vcvt.f32.s32 v9;
	_ =	sdelay $0x1  }
0xd4: {  	v10 =	vadd.s32 $0x1, v9  }
0xd5: {  	v11 =	vadd.s32 $0x1, v8;
	_ =	sdelay $0x1  }
0xd6: {  	v12 =	vld.idx.msk [tilespmem:v8+s30+$0x0], $0xffff  }
0xd7: {  	v13 =	vld.idx.msk [tilespmem:v9+s30+$0x0], $0xffff  }
0xd8: {  	v10 =	vld.idx.msk [tilespmem:v10+s30+$0x0], $0xffff  }
0xd9: {  	v11 =	vld.idx.msk [tilespmem:v11+s30+$0x0], $0xffff;
	_ =	sdelay $0x3  }
0xda: {  	vm0 =	vlt.f32 v6, v12;
	vm2 =	vlt.f32 v7, v13;
	vm1 =	vge.f32 v7, v10  }
0xdb: {  	vm3 =	vge.f32 v6, v11;
	v11 =	vsel vm2, $0xFFFFFFFF, v5;
	v10 =	vsel vm1, $0x1, v5  }
0xdc: {  	v58 =	vsel vm0, $0xFFFFFFFF, v5;
	v57 =	vsel vm3, $0x1, v5;
	v10 =	vadd.s32 v10, v11  }
0xdd: {  	v11 =	vadd.s32 v57, v58;
	v9 =	vadd.s32 v9, v10  }
0xde: {  	v6 =	vand.u32 $0x7FFFFFFF, v6;
	v8 =	vadd.s32 v8, v11;
	vm0 =	vgt.s32 v9, $0x0  }
0xdf: {  	s14 =	simm.s32 $0x70;
	v7 =	vand.u32 $0x7FFFFFFF, v7;
	vm1 =	vgt.s32 v8, $0x0;
	v9 =	vnsel vm0, $0x0, v9  }
0xe0: {  	v10 =	vadd.s32 s14, v0;
	v8 =	vnsel vm1, $0x0, v8;
	v9 =	vmin.u32 v9, $0x3FF  }
0xe1: {  	v11 =	vadd.s32 s14, v4;
	v8 =	vmin.u32 v8, $0x3FF;
	v9 =	vshll.u32 v9, $0xA  }
0xe2: {  	vm0 =	vle.f32 v6, $5.120000240e-01;
	vm1 =	vle.f32 v7, $5.120000240e-01;
	v6 =	vor.u32 v8, v9  }
0xe3: {  	vm0 =	vmand vm0, vm1;
	v6 =	vxor.u32 $0xFFC00, v6  }
0xe4: {  	s13 =	sand.u32 $0x7F0, s29;
	v6 =	vnsel vm0, $0x100000, v6  }
0xe5: {  	[tilespmem:s13+$0x7380] =	vst v6  }
0xe6: {  	v6 =	vld.idx.msk [tilespmem:v10+s3+$0x0], $0xffff  }
0xe7: {  	v7 =	vld.idx.msk [tilespmem:v11+s3+$0x0], $0xffff;
	_ =	sdelay $0x3  }
0xe8: {  	v8 =	vshrl.u32 v6, $0x10  }
0xe9: {  	v9 =	vshrl.u32 v7, $0x10;
	v8 =	vand.u32 $0x1, v8  }
0xea: {  	v6 =	vadd.s32 v8, v6;
	v8 =	vand.u32 $0x1, v9  }
0xeb: {  	v6 =	vadd.s32 $0x7FFF, v6;
	v7 =	vadd.s32 v8, v7  }
0xec: {  	v6 =	vand.u32 $0xFFFF0000, v6;
	v7 =	vadd.s32 $0x7FFF, v7  }
0xed: {  	v8 =	vadd.f32 $-1.000000050e-03, v6;
	v6 =	vand.u32 $0xFFFF0000, v7  }
0xee: {  	v9 =	vadd.f32 $2.000000090e-03, v6  }
0xef: {  	v6 =	vadd.f32 $5.120000240e-01, v8  }
0xf0: {  	v7 =	vadd.f32 $5.120000240e-01, v9  }
0xf1: {  	v6 =	vmul.f32 $1.000000000e+03, v6  }
0xf2: {  	v7 =	vmul.f32 $1.000000000e+03, v7  }
0xf3: {  	v6 =	vmax.f32 v6, $0.0e+00  }
0xf4: {  	v6 =	vmin.f32 v6, $1.023000000e+03;
	v7 =	vmax.f32 v7, $0.0e+00  }
0xf5: {  	v6 =	vtrunc.f32 v6;
	v7 =	vmin.f32 v7, $1.023000000e+03  }
0xf6: {  	v10 =	vcvt.f32.s32 v6;
	v6 =	vtrunc.f32 v7  }
0xf7: {  	v6 =	vcvt.f32.s32 v6;
	_ =	sdelay $0x1  }
0xf8: {  	v7 =	vadd.s32 $0x1, v6  }
0xf9: {  	v11 =	vadd.s32 $0x1, v10;
	_ =	sdelay $0x1  }
0xfa: {  	v59 =	vld.idx.msk [tilespmem:v10+s30+$0x0], $0xffff  }
0xfb: {  	v60 =	vld.idx.msk [tilespmem:v6+s30+$0x0], $0xffff  }
0xfc: {  	v7 =	vld.idx.msk [tilespmem:v7+s30+$0x0], $0xffff  }
0xfd: {  	v11 =	vld.idx.msk [tilespmem:v11+s30+$0x0], $0xffff;
	_ =	sdelay $0x3  }
0xfe: {  	vm0 =	vlt.f32 v8, v59;
	vm2 =	vlt.f32 v9, v60;
	vm1 =	vge.f32 v9, v7  }
0xff: {  	vm3 =	vge.f32 v8, v11;
	v11 =	vsel vm2, $0xFFFFFFFF, v5;
	v7 =	vsel vm1, $0x1, v5  }
0x100: {  	v62 =	vsel vm0, $0xFFFFFFFF, v5;
	v61 =	vsel vm3, $0x1, v5;
	v7 =	vadd.s32 v7, v11  }
0x101: {  	v11 =	vadd.s32 v61, v62;
	v63 =	vadd.s32 v6, v7  }
0x102: {  	v8 =	vand.u32 $0x7FFFFFFF, v8;
	v10 =	vadd.s32 v10, v11;
	vm0 =	vgt.s32 v63, $0x0  }
0x103: {  	s14 =	simm.s32 $0xE0;
	v9 =	vand.u32 $0x7FFFFFFF, v9;
	vm1 =	vgt.s32 v10, $0x0;
	v11 =	vnsel vm0, $0x0, v63  }
0x104: {  	v6 =	vadd.s32 s14, v0;
	v10 =	vnsel vm1, $0x0, v10;
	v11 =	vmin.u32 v11, $0x3FF  }
0x105: {  	v7 =	vadd.s32 s14, v4;
	v10 =	vmin.u32 v10, $0x3FF;
	v11 =	vshll.u32 v11, $0xA  }
0x106: {  	s12 =	simm.s32 $0x150;
	s13 =	simm.s32 $0x0;
	vm0 =	vle.f32 v8, $5.120000240e-01;
	vm1 =	vle.f32 v9, $5.120000240e-01;
	v8 =	vor.u32 v10, v11  }
.LBB2_5:
0x107: {  	p2 =	sne.s32 s12, $0x36B0;
	v8 =	vxor.u32 $0xFFC00, v8;
	vm0 =	vmand vm0, vm1;
	s13 =	sadd.s32 $0x10, s13  }
0x108: {  	v8 =	vnsel vm0, $0x100000, v8;
	s14 =	sand.u32 $0x7F0, s13  }
0x109: {  	[tilespmem:s14+$0x7380] =	vst v8  }
0x10a: {  	v6 =	vld.idx.msk [tilespmem:v6+s3+$0x0], $0xffff  }
0x10b: {  	v7 =	vld.idx.msk [tilespmem:v7+s3+$0x0], $0xffff;
	_ =	sdelay $0x4  }
0x10c: {  	v8 =	vshrl.u32 v6, $0x10  }
0x10d: {  	v8 =	vand.u32 $0x1, v8;
	v9 =	vshrl.u32 v7, $0x10  }
0x10e: {  	v6 =	vadd.s32 v8, v6;
	v8 =	vand.u32 $0x1, v9  }
0x10f: {  	v6 =	vadd.s32 $0x7FFF, v6;
	v7 =	vadd.s32 v8, v7  }
0x110: {  	v6 =	vand.u32 $0xFFFF0000, v6;
	v7 =	vadd.s32 $0x7FFF, v7  }
0x111: {  	v8 =	vadd.f32 $-1.000000050e-03, v6;
	v6 =	vand.u32 $0xFFFF0000, v7  }
0x112: {  	v9 =	vadd.f32 $2.000000090e-03, v6  }
0x113: {  	v6 =	vadd.f32 $5.120000240e-01, v8  }
0x114: {  	v7 =	vadd.f32 $5.120000240e-01, v9  }
0x115: {  	v6 =	vmul.f32 $1.000000000e+03, v6  }
0x116: {  	v7 =	vmul.f32 $1.000000000e+03, v7  }
0x117: {  	v6 =	vmax.f32 v6, $0.0e+00  }
0x118: {  	v6 =	vmin.f32 v6, $1.023000000e+03;
	v7 =	vmax.f32 v7, $0.0e+00  }
0x119: {  	v6 =	vtrunc.f32 v6;
	v7 =	vmin.f32 v7, $1.023000000e+03  }
0x11a: {  	v10 =	vcvt.f32.s32 v6;
	v6 =	vtrunc.f32 v7  }
0x11b: {  	v6 =	vcvt.f32.s32 v6;
	_ =	sdelay $0x1  }
0x11c: {  	v7 =	vadd.s32 $0x1, v6  }
0x11d: {  	v11 =	vadd.s32 $0x1, v10;
	_ =	sdelay $0x1  }
0x11e: {  	v12 =	vld.idx.msk [tilespmem:v10+s30+$0x0], $0xffff  }
0x11f: {  	v13 =	vld.idx.msk [tilespmem:v6+s30+$0x0], $0xffff  }
0x120: {  	v7 =	vld.idx.msk [tilespmem:v7+s30+$0x0], $0xffff  }
0x121: {  	v11 =	vld.idx.msk [tilespmem:v11+s30+$0x0], $0xffff;
	_ =	sdelay $0x4  }
0x122: {  	vm0 =	vlt.f32 v8, v12;
	vm2 =	vlt.f32 v9, v13;
	vm1 =	vge.f32 v9, v7  }
0x123: {  	vm3 =	vge.f32 v8, v11;
	v7 =	vsel vm1, $0x1, v5;
	v11 =	vsel vm2, $0xFFFFFFFF, v5  }
0x124: {  	v13 =	vsel vm0, $0xFFFFFFFF, v5;
	v12 =	vsel vm3, $0x1, v5;
	v7 =	vadd.s32 v7, v11  }
0x125: {  	v11 =	vadd.s32 v12, v13;
	v12 =	vadd.s32 v6, v7  }
.Ltmp5:
0x126: {  	v6 =	vadd.s32 s12, v0;
	v10 =	vadd.s32 v10, v11;
	vm0 =	vgt.s32 v12, $0x0;
	(pc) =	sbr.rel @p2 .LBB2_5-.Ltmp5, $4  }
0x127: {  	v7 =	vadd.s32 s12, v4;
	vm1 =	vgt.s32 v10, $0x0;
	v11 =	vnsel vm0, $0x0, v12  }
0x128: {  	v8 =	vand.u32 $0x7FFFFFFF, v8;
	v10 =	vnsel vm1, $0x0, v10;
	v11 =	vmin.u32 v11, $0x3FF  }
0x129: {  	v9 =	vand.u32 $0x7FFFFFFF, v9;
	v10 =	vmin.u32 v10, $0x3FF;
	v11 =	vshll.u32 v11, $0xA  }
0x12a: {  	s12 =	sadd.s32 $0x70, s12;
	vm0 =	vle.f32 v8, $5.120000240e-01;
	vm1 =	vle.f32 v9, $5.120000240e-01;
	v8 =	vor.u32 v10, v11  }
0x12b: {  	_ = 	snop  }
0x12c: {  	v8 =	vxor.u32 $0xFFC00, v8;
	vm0 =	vmand vm0, vm1;
	s12 =	sadd.s32 $0x10, s13  }
0x12d: {  	v8 =	vnsel vm0, $0x100000, v8;
	s13 =	sand.u32 $0x7F0, s12  }
0x12e: {  	[tilespmem:s13+$0x7380] =	vst v8  }
0x12f: {  	v6 =	vld.idx.msk [tilespmem:v6+s3+$0x0], $0xffff  }
0x130: {  	v7 =	vld.idx.msk [tilespmem:v7+s3+$0x0], $0xffff;
	_ =	sdelay $0x3  }
0x131: {  	v56 =	vshrl.u32 v6, $0x10  }
0x132: {  	v9 =	vshrl.u32 v7, $0x10;
	v8 =	vand.u32 $0x1, v56  }
0x133: {  	v57 =	vand.u32 $0x1, v9;
	v6 =	vadd.s32 v8, v6  }
0x134: {  	v7 =	vadd.s32 v57, v7;
	v6 =	vadd.s32 $0x7FFF, v6  }
0x135: {  	v7 =	vadd.s32 $0x7FFF, v7;
	v6 =	vand.u32 $0xFFFF0000, v6  }
0x136: {  	v7 =	vand.u32 $0xFFFF0000, v7;
	v6 =	vadd.f32 $-1.000000050e-03, v6  }
0x137: {  	v7 =	vadd.f32 $2.000000090e-03, v7  }
0x138: {  	v58 =	vadd.f32 $5.120000240e-01, v6  }
0x139: {  	v59 =	vadd.f32 $5.120000240e-01, v7  }
0x13a: {  	v8 =	vmul.f32 $1.000000000e+03, v58  }
0x13b: {  	v9 =	vmul.f32 $1.000000000e+03, v59  }
0x13c: {  	v8 =	vmax.f32 v8, $0.0e+00  }
0x13d: {  	v9 =	vmax.f32 v9, $0.0e+00;
	v8 =	vmin.f32 v8, $1.023000000e+03  }
0x13e: {  	v9 =	vmin.f32 v9, $1.023000000e+03;
	v8 =	vtrunc.f32 v8  }
0x13f: {  	v9 =	vtrunc.f32 v9;
	v8 =	vcvt.f32.s32 v8  }
0x140: {  	v9 =	vcvt.f32.s32 v9;
	_ =	sdelay $0x1  }
0x141: {  	v10 =	vadd.s32 $0x1, v9  }
0x142: {  	v11 =	vadd.s32 $0x1, v8;
	_ =	sdelay $0x1  }
0x143: {  	v12 =	vld.idx.msk [tilespmem:v8+s30+$0x0], $0xffff  }
0x144: {  	v13 =	vld.idx.msk [tilespmem:v9+s30+$0x0], $0xffff  }
0x145: {  	v10 =	vld.idx.msk [tilespmem:v10+s30+$0x0], $0xffff  }
0x146: {  	v11 =	vld.idx.msk [tilespmem:v11+s30+$0x0], $0xffff;
	_ =	sdelay $0x3  }
0x147: {  	vm10 =	vlt.f32 v6, v12;
	vm2 =	vlt.f32 v7, v13;
	vm11 =	vge.f32 v7, v10  }
0x148: {  	vm3 =	vge.f32 v6, v11;
	v60 =	vsel vm2, $0xFFFFFFFF, v5;
	v10 =	vsel vm11, $0x1, v5  }
0x149: {  	v62 =	vsel vm10, $0xFFFFFFFF, v5;
	v61 =	vsel vm3, $0x1, v5;
	v10 =	vadd.s32 v10, v60  }
0x14a: {  	v63 =	vadd.s32 v61, v62;
	v9 =	vadd.s32 v9, v10  }
0x14b: {  	p2 =	seq.s32 s10, $0xF;
	v8 =	vadd.s32 v8, v63;
	vm12 =	vgt.s32 v9, $0x0  }
0x14c: {  	s13 =	smul.u32 @!p2 $0xFC0, s10;
	vm13 =	vgt.s32 v8, $0x0;
	v9 =	vnsel vm12, $0x0, v9  }
0x14d: {  	v6 =	vand.u32 $0x7FFFFFFF, v6;
	v8 =	vnsel vm13, $0x0, v8;
	v9 =	vmin.u32 v9, $0x3FF  }
0x14e: {  	s13 =	sadd.s32 @!p2 s13, s9;
	v7 =	vand.u32 $0x7FFFFFFF, v7;
	v8 =	vmin.u32 v8, $0x3FF;
	v9 =	vshll.u32 v9, $0xA  }
0x14f: {  	s13 =	smul.u32 @!p2 $0x7, s13;
	vm14 =	vle.f32 v6, $5.120000240e-01;
	vm15 =	vle.f32 v7, $5.120000240e-01;
	v6 =	vor.u32 v8, v9  }
0x150: {  	s12 =	sadd.s32 $0x10, s12;
	vm0 =	vmand vm14, vm15;
	v6 =	vxor.u32 $0xFFC00, v6  }
0x151: {  	s12 =	sand.u32 $0x7F0, s12;
	s13 =	sshrl.u32 @!p2 s13, $0x3;
	v6 =	vnsel vm0, $0x100000, v6  }
0x152: {  	[tilespmem:s12+$0x7380] =	vst v6;
	s12 =	sadd.s32 @!p2 s5, s13;
	s13 =	simm.s32 @!p2 $0x0  }
0x153: {  	[tilespmem:s13], [sflag:$0x1] =	stream.linear.gather @!p2 [hbm4b:s12+s13], $0x3720, $0x38;
	[tilespmem:$0x19408] =	vst v63  }
0x154: {  	_ = 	snop  }
0x155: {  	[spmem:s2] =	stream.indirect.scatter.add.f32 [tilespmem:s8], [sflag:$0x3], $0x1, s7, s4, $0xb8;
	[tilespmem:$0x19408] =	vst v63  }
0x156: {  	s14 =	simm.s32 $0x7400  }
0x157: {  	[spmem:s2] =	stream.indirect.scatter.add.f32 [tilespmem:s8], [sflag:$0x3], $0x1, s14, s4, $0xb8;
	[tilespmem:$0x19408] =	vst v63  }
0x158: {  	s13 =	simm.s32 $0x7480  }
0x159: {  	[spmem:s2] =	stream.indirect.scatter.add.f32 [tilespmem:s8], [sflag:$0x3], $0x1, s13, s4, $0xb8;
	[tilespmem:$0x19408] =	vst v63  }
0x15a: {  	s14 =	simm.s32 $0x7500  }
0x15b: {  	[spmem:s2] =	stream.indirect.scatter.add.f32 [tilespmem:s8], [sflag:$0x3], $0x1, s14, s4, $0xb8;
	[tilespmem:$0x19408] =	vst v63  }
0x15c: {  	_ = 	snop  }
0x15d: {  	[spmem:s2] =	stream.indirect.scatter.add.f32 [tilespmem:s8], [sflag:$0x3], $0x1, s15, s4, $0xb8;
	[tilespmem:$0x19408] =	vst v63  }
0x15e: {  	_ = 	snop  }
0x15f: {  	[spmem:s2] =	stream.indirect.scatter.add.f32 [tilespmem:s8], [sflag:$0x3], $0x1, s16, s4, $0xb8;
	[tilespmem:$0x19408] =	vst v63  }
0x160: {  	_ = 	snop  }
0x161: {  	[spmem:s2] =	stream.indirect.scatter.add.f32 [tilespmem:s8], [sflag:$0x3], $0x1, s17, s4, $0xb8;
	[tilespmem:$0x19408] =	vst v63  }
0x162: {  	_ = 	snop  }
0x163: {  	[spmem:s2] =	stream.indirect.scatter.add.f32 [tilespmem:s8], [sflag:$0x3], $0x1, s18, s4, $0xb8;
	[tilespmem:$0x19408] =	vst v63  }
0x164: {  	_ = 	snop  }
0x165: {  	[spmem:s2] =	stream.indirect.scatter.add.f32 [tilespmem:s8], [sflag:$0x3], $0x1, s19, s4, $0xb8;
	[tilespmem:$0x19408] =	vst v63  }
0x166: {  	_ = 	snop  }
0x167: {  	[spmem:s2] =	stream.indirect.scatter.add.f32 [tilespmem:s8], [sflag:$0x3], $0x1, s20, s4, $0xb8;
	[tilespmem:$0x19408] =	vst v63  }
0x168: {  	_ = 	snop  }
0x169: {  	[spmem:s2] =	stream.indirect.scatter.add.f32 [tilespmem:s8], [sflag:$0x3], $0x1, s21, s4, $0xb8;
	[tilespmem:$0x19408] =	vst v63  }
0x16a: {  	_ = 	snop  }
0x16b: {  	[spmem:s2] =	stream.indirect.scatter.add.f32 [tilespmem:s8], [sflag:$0x3], $0x1, s22, s4, $0xb8;
	[tilespmem:$0x19408] =	vst v63  }
0x16c: {  	_ = 	snop  }
0x16d: {  	[spmem:s2] =	stream.indirect.scatter.add.f32 [tilespmem:s8], [sflag:$0x3], $0x1, s23, s4, $0xb8;
	[tilespmem:$0x19408] =	vst v63  }
0x16e: {  	p2 =	sgt.u32 s10, $0xE  }
0x16f: {  	[spmem:s2] =	stream.indirect.scatter.add.f32 [tilespmem:s8], [sflag:$0x3], $0x1, s24, s4, $0xb8;
	[tilespmem:$0x19408] =	vst v63  }
.Ltmp6:
0x170: {  	_ = 	snop;
	(pc) =	sbr.rel @p2 .LBB2_10-.Ltmp6, $4  }
0x171: {  	_ = 	snop  }
0x172: {  	[spmem:s2] =	stream.indirect.scatter.add.f32 [tilespmem:s8], [sflag:$0x3], $0x1, s25, s4, $0xb8;
	[tilespmem:$0x19408] =	vst v63  }
0x173: {  	_ = 	snop  }
0x174: {  	[spmem:s2] =	stream.indirect.scatter.add.f32 [tilespmem:s8], [sflag:$0x3], $0x1, s26, s4, $0xb8;
	[tilespmem:$0x19408] =	vst v63  }
0x175: {  	s13 =	simm.s32 @!p1 $0x4  }
0x176: {  	_ =	swait.ge @!p1 [sflag:s13], $0x80  }
0x177: {  	[sflag:s13] =	ssyncset.done @!p1 $0x0  }
0x178: {  	[sflag:s13] =	ssyncadd.s32 @!p1 $0xFFFFFF80  }
0x179: {  	_ =	swait.ge @!p1 [sflag:s13], $0x80  }
0x17a: {  	[sflag:s13] =	ssyncset.done @!p1 $0x0  }
0x17b: {  	[sflag:s13] =	ssyncadd.s32 @!p1 $0xFFFFFF80  }
0x17c: {  	_ =	swait.ge @!p1 [sflag:s13], $0x80  }
0x17d: {  	[sflag:s13] =	ssyncset.done @!p1 $0x0  }
0x17e: {  	[sflag:s13] =	ssyncadd.s32 @!p1 $0xFFFFFF80  }
0x17f: {  	_ =	swait.ge @!p1 [sflag:s13], $0x80  }
0x180: {  	[sflag:s13] =	ssyncset.done @!p1 $0x0  }
0x181: {  	[sflag:s13] =	ssyncadd.s32 @!p1 $0xFFFFFF80  }
0x182: {  	_ =	swait.ge @!p1 [sflag:s13], $0x80  }
0x183: {  	[sflag:s13] =	ssyncset.done @!p1 $0x0  }
0x184: {  	[sflag:s13] =	ssyncadd.s32 @!p1 $0xFFFFFF80  }
0x185: {  	_ =	swait.ge @!p1 [sflag:s13], $0x80  }
0x186: {  	[sflag:s13] =	ssyncset.done @!p1 $0x0  }
0x187: {  	[sflag:s13] =	ssyncadd.s32 @!p1 $0xFFFFFF80  }
0x188: {  	_ =	swait.ge @!p1 [sflag:s13], $0x80  }
0x189: {  	[sflag:s13] =	ssyncset.done @!p1 $0x0  }
0x18a: {  	[sflag:s13] =	ssyncadd.s32 @!p1 $0xFFFFFF80  }
0x18b: {  	_ =	swait.ge @!p1 [sflag:s13], $0x80  }
0x18c: {  	[sflag:s13] =	ssyncset.done @!p1 $0x0  }
0x18d: {  	[sflag:s13] =	ssyncadd.s32 @!p1 $0xFFFFFF80  }
0x18e: {  	_ =	swait.ge @!p1 [sflag:s13], $0x80  }
0x18f: {  	[sflag:s13] =	ssyncset.done @!p1 $0x0  }
0x190: {  	[sflag:s13] =	ssyncadd.s32 @!p1 $0xFFFFFF80  }
0x191: {  	_ =	swait.ge @!p1 [sflag:s13], $0x80  }
0x192: {  	[sflag:s13] =	ssyncset.done @!p1 $0x0  }
0x193: {  	[sflag:s13] =	ssyncadd.s32 @!p1 $0xFFFFFF80  }
0x194: {  	_ =	swait.ge @!p1 [sflag:s13], $0x80  }
0x195: {  	[sflag:s13] =	ssyncset.done @!p1 $0x0  }
0x196: {  	[sflag:s13] =	ssyncadd.s32 @!p1 $0xFFFFFF80  }
0x197: {  	_ =	swait.ge @!p1 [sflag:s13], $0x80  }
0x198: {  	[sflag:s13] =	ssyncset.done @!p1 $0x0  }
0x199: {  	[sflag:s13] =	ssyncadd.s32 @!p1 $0xFFFFFF80  }
0x19a: {  	_ =	swait.ge @!p1 [sflag:s13], $0x80  }
0x19b: {  	[sflag:s13] =	ssyncset.done @!p1 $0x0  }
0x19c: {  	[sflag:s13] =	ssyncadd.s32 @!p1 $0xFFFFFF80  }
0x19d: {  	_ =	swait.ge @!p1 [sflag:s13], $0x80  }
0x19e: {  	[sflag:s13] =	ssyncset.done @!p1 $0x0  }
0x19f: {  	[sflag:s13] =	ssyncadd.s32 @!p1 $0xFFFFFF80  }
0x1a0: {  	_ =	swait.ge @!p1 [sflag:s13], $0x80  }
0x1a1: {  	[sflag:s13] =	ssyncset.done @!p1 $0x0  }
0x1a2: {  	[sflag:s13] =	ssyncadd.s32 @!p1 $0xFFFFFF80  }
0x1a3: {  	s12 =	simm.s32 $0x0;
	_ =	swait.ge @!p1 [sflag:s13], $0x80  }
0x1a4: {  	v6 =	vadd.s32 s12, v0;
	[sflag:s13] =	ssyncset.done @!p1 $0x0  }
0x1a5: {  	v7 =	vadd.s32 s12, v4;
	[sflag:s13] =	ssyncadd.s32 @!p1 $0xFFFFFF80  }
0x1a6: {  	_ =	swait.ge [sflag:s28], $0x3720  }
0x1a7: {  	[sflag:s28] =	ssyncset.done $0x0  }
0x1a8: {  	[sflag:s28] =	ssyncadd.s32 $0xFFFFC8E0  }
0x1a9: {  	v6 =	vld.idx.msk [tilespmem:v6+s1+$0x0], $0xffff  }
0x1aa: {  	v7 =	vld.idx.msk [tilespmem:v7+s1+$0x0], $0xffff;
	_ =	sdelay $0x3  }
0x1ab: {  	v8 =	vshrl.u32 v6, $0x10  }
0x1ac: {  	v9 =	vshrl.u32 v7, $0x10;
	v8 =	vand.u32 $0x1, v8  }
0x1ad: {  	v6 =	vadd.s32 v8, v6;
	v8 =	vand.u32 $0x1, v9  }
0x1ae: {  	v6 =	vadd.s32 $0x7FFF, v6;
	v7 =	vadd.s32 v8, v7  }
0x1af: {  	v6 =	vand.u32 $0xFFFF0000, v6;
	v7 =	vadd.s32 $0x7FFF, v7  }
0x1b0: {  	v6 =	vadd.f32 $-1.000000050e-03, v6;
	v7 =	vand.u32 $0xFFFF0000, v7  }
0x1b1: {  	v7 =	vadd.f32 $2.000000090e-03, v7  }
0x1b2: {  	v8 =	vadd.f32 $5.120000240e-01, v6  }
0x1b3: {  	v9 =	vadd.f32 $5.120000240e-01, v7  }
0x1b4: {  	v8 =	vmul.f32 $1.000000000e+03, v8  }
0x1b5: {  	v9 =	vmul.f32 $1.000000000e+03, v9  }
0x1b6: {  	v8 =	vmax.f32 v8, $0.0e+00  }
0x1b7: {  	v8 =	vmin.f32 v8, $1.023000000e+03;
	v9 =	vmax.f32 v9, $0.0e+00  }
0x1b8: {  	v8 =	vtrunc.f32 v8;
	v9 =	vmin.f32 v9, $1.023000000e+03  }
0x1b9: {  	v8 =	vcvt.f32.s32 v8;
	v9 =	vtrunc.f32 v9  }
0x1ba: {  	v9 =	vcvt.f32.s32 v9;
	_ =	sdelay $0x1  }
0x1bb: {  	v10 =	vadd.s32 $0x1, v9  }
0x1bc: {  	v11 =	vadd.s32 $0x1, v8;
	_ =	sdelay $0x1  }
0x1bd: {  	v12 =	vld.idx.msk [tilespmem:v8+s30+$0x0], $0xffff  }
0x1be: {  	v13 =	vld.idx.msk [tilespmem:v9+s30+$0x0], $0xffff  }
0x1bf: {  	v10 =	vld.idx.msk [tilespmem:v10+s30+$0x0], $0xffff  }
0x1c0: {  	v11 =	vld.idx.msk [tilespmem:v11+s30+$0x0], $0xffff;
	_ =	sdelay $0x3  }
0x1c1: {  	vm0 =	vlt.f32 v6, v12;
	vm2 =	vlt.f32 v7, v13;
	vm1 =	vge.f32 v7, v10  }
0x1c2: {  	vm3 =	vge.f32 v6, v11;
	v11 =	vsel vm2, $0xFFFFFFFF, v5;
	v10 =	vsel vm1, $0x1, v5  }
0x1c3: {  	v58 =	vsel vm0, $0xFFFFFFFF, v5;
	v57 =	vsel vm3, $0x1, v5;
	v10 =	vadd.s32 v10, v11  }
0x1c4: {  	v11 =	vadd.s32 v57, v58;
	v9 =	vadd.s32 v9, v10  }
0x1c5: {  	v6 =	vand.u32 $0x7FFFFFFF, v6;
	v8 =	vadd.s32 v8, v11;
	vm0 =	vgt.s32 v9, $0x0  }
0x1c6: {  	s14 =	simm.s32 $0x70;
	v7 =	vand.u32 $0x7FFFFFFF, v7;
	vm1 =	vgt.s32 v8, $0x0;
	v9 =	vnsel vm0, $0x0, v9  }
0x1c7: {  	v10 =	vadd.s32 s14, v0;
	v8 =	vnsel vm1, $0x0, v8;
	v9 =	vmin.u32 v9, $0x3FF  }
0x1c8: {  	v11 =	vadd.s32 s14, v4;
	v8 =	vmin.u32 v8, $0x3FF;
	v9 =	vshll.u32 v9, $0xA  }
0x1c9: {  	vm0 =	vle.f32 v6, $5.120000240e-01;
	vm1 =	vle.f32 v7, $5.120000240e-01;
	v6 =	vor.u32 v8, v9  }
0x1ca: {  	vm0 =	vmand vm0, vm1;
	v6 =	vxor.u32 $0xFFC00, v6  }
0x1cb: {  	s14 =	sand.u32 $0x7F0, s12;
	v6 =	vnsel vm0, $0x100000, v6  }
0x1cc: {  	[tilespmem:s14+$0x7B80] =	vst v6  }
0x1cd: {  	v6 =	vld.idx.msk [tilespmem:v10+s1+$0x0], $0xffff  }
0x1ce: {  	v7 =	vld.idx.msk [tilespmem:v11+s1+$0x0], $0xffff;
	_ =	sdelay $0x3  }
0x1cf: {  	v8 =	vshrl.u32 v6, $0x10  }
0x1d0: {  	v9 =	vshrl.u32 v7, $0x10;
	v8 =	vand.u32 $0x1, v8  }
0x1d1: {  	v6 =	vadd.s32 v8, v6;
	v8 =	vand.u32 $0x1, v9  }
0x1d2: {  	v6 =	vadd.s32 $0x7FFF, v6;
	v7 =	vadd.s32 v8, v7  }
0x1d3: {  	v6 =	vand.u32 $0xFFFF0000, v6;
	v7 =	vadd.s32 $0x7FFF, v7  }
0x1d4: {  	v8 =	vadd.f32 $-1.000000050e-03, v6;
	v6 =	vand.u32 $0xFFFF0000, v7  }
0x1d5: {  	v9 =	vadd.f32 $2.000000090e-03, v6  }
0x1d6: {  	v6 =	vadd.f32 $5.120000240e-01, v8  }
0x1d7: {  	v7 =	vadd.f32 $5.120000240e-01, v9  }
0x1d8: {  	v6 =	vmul.f32 $1.000000000e+03, v6  }
0x1d9: {  	v7 =	vmul.f32 $1.000000000e+03, v7  }
0x1da: {  	v6 =	vmax.f32 v6, $0.0e+00  }
0x1db: {  	v6 =	vmin.f32 v6, $1.023000000e+03;
	v7 =	vmax.f32 v7, $0.0e+00  }
0x1dc: {  	v6 =	vtrunc.f32 v6;
	v7 =	vmin.f32 v7, $1.023000000e+03  }
0x1dd: {  	v10 =	vcvt.f32.s32 v6;
	v6 =	vtrunc.f32 v7  }
0x1de: {  	v6 =	vcvt.f32.s32 v6;
	_ =	sdelay $0x1  }
0x1df: {  	v7 =	vadd.s32 $0x1, v6  }
0x1e0: {  	v11 =	vadd.s32 $0x1, v10;
	_ =	sdelay $0x1  }
0x1e1: {  	v59 =	vld.idx.msk [tilespmem:v10+s30+$0x0], $0xffff  }
0x1e2: {  	v60 =	vld.idx.msk [tilespmem:v6+s30+$0x0], $0xffff  }
0x1e3: {  	v7 =	vld.idx.msk [tilespmem:v7+s30+$0x0], $0xffff  }
0x1e4: {  	v11 =	vld.idx.msk [tilespmem:v11+s30+$0x0], $0xffff;
	_ =	sdelay $0x3  }
0x1e5: {  	vm0 =	vlt.f32 v8, v59;
	vm2 =	vlt.f32 v9, v60;
	vm1 =	vge.f32 v9, v7  }
0x1e6: {  	vm3 =	vge.f32 v8, v11;
	v11 =	vsel vm2, $0xFFFFFFFF, v5;
	v7 =	vsel vm1, $0x1, v5  }
0x1e7: {  	v62 =	vsel vm0, $0xFFFFFFFF, v5;
	v61 =	vsel vm3, $0x1, v5;
	v7 =	vadd.s32 v7, v11  }
0x1e8: {  	v11 =	vadd.s32 v61, v62;
	v63 =	vadd.s32 v6, v7  }
0x1e9: {  	v8 =	vand.u32 $0x7FFFFFFF, v8;
	v10 =	vadd.s32 v10, v11;
	vm0 =	vgt.s32 v63, $0x0  }
0x1ea: {  	s14 =	simm.s32 $0xE0;
	v9 =	vand.u32 $0x7FFFFFFF, v9;
	vm1 =	vgt.s32 v10, $0x0;
	v11 =	vnsel vm0, $0x0, v63  }
0x1eb: {  	v6 =	vadd.s32 s14, v0;
	v10 =	vnsel vm1, $0x0, v10;
	v11 =	vmin.u32 v11, $0x3FF  }
0x1ec: {  	v7 =	vadd.s32 s14, v4;
	v10 =	vmin.u32 v10, $0x3FF;
	v11 =	vshll.u32 v11, $0xA  }
0x1ed: {  	s13 =	simm.s32 $0x150;
	vm0 =	vle.f32 v8, $5.120000240e-01;
	vm1 =	vle.f32 v9, $5.120000240e-01;
	v8 =	vor.u32 v10, v11  }
.LBB2_8:
0x1ee: {  	p1 =	sne.s32 s13, $0x36B0;
	v8 =	vxor.u32 $0xFFC00, v8;
	vm0 =	vmand vm0, vm1;
	s12 =	sadd.s32 $0x10, s12  }
0x1ef: {  	v8 =	vnsel vm0, $0x100000, v8;
	s14 =	sand.u32 $0x7F0, s12  }
0x1f0: {  	[tilespmem:s14+$0x7B80] =	vst v8  }
0x1f1: {  	v6 =	vld.idx.msk [tilespmem:v6+s1+$0x0], $0xffff  }
0x1f2: {  	v7 =	vld.idx.msk [tilespmem:v7+s1+$0x0], $0xffff;
	_ =	sdelay $0x4  }
0x1f3: {  	v8 =	vshrl.u32 v6, $0x10  }
0x1f4: {  	v8 =	vand.u32 $0x1, v8;
	v9 =	vshrl.u32 v7, $0x10  }
0x1f5: {  	v6 =	vadd.s32 v8, v6;
	v8 =	vand.u32 $0x1, v9  }
0x1f6: {  	v6 =	vadd.s32 $0x7FFF, v6;
	v7 =	vadd.s32 v8, v7  }
0x1f7: {  	v6 =	vand.u32 $0xFFFF0000, v6;
	v7 =	vadd.s32 $0x7FFF, v7  }
0x1f8: {  	v8 =	vadd.f32 $-1.000000050e-03, v6;
	v6 =	vand.u32 $0xFFFF0000, v7  }
0x1f9: {  	v9 =	vadd.f32 $2.000000090e-03, v6  }
0x1fa: {  	v6 =	vadd.f32 $5.120000240e-01, v8  }
0x1fb: {  	v7 =	vadd.f32 $5.120000240e-01, v9  }
0x1fc: {  	v6 =	vmul.f32 $1.000000000e+03, v6  }
0x1fd: {  	v7 =	vmul.f32 $1.000000000e+03, v7  }
0x1fe: {  	v6 =	vmax.f32 v6, $0.0e+00  }
0x1ff: {  	v6 =	vmin.f32 v6, $1.023000000e+03;
	v7 =	vmax.f32 v7, $0.0e+00  }
0x200: {  	v6 =	vtrunc.f32 v6;
	v7 =	vmin.f32 v7, $1.023000000e+03  }
0x201: {  	v10 =	vcvt.f32.s32 v6;
	v6 =	vtrunc.f32 v7  }
0x202: {  	v6 =	vcvt.f32.s32 v6;
	_ =	sdelay $0x1  }
0x203: {  	v7 =	vadd.s32 $0x1, v6  }
0x204: {  	v11 =	vadd.s32 $0x1, v10;
	_ =	sdelay $0x1  }
0x205: {  	v12 =	vld.idx.msk [tilespmem:v10+s30+$0x0], $0xffff  }
0x206: {  	v13 =	vld.idx.msk [tilespmem:v6+s30+$0x0], $0xffff  }
0x207: {  	v7 =	vld.idx.msk [tilespmem:v7+s30+$0x0], $0xffff  }
0x208: {  	v11 =	vld.idx.msk [tilespmem:v11+s30+$0x0], $0xffff;
	_ =	sdelay $0x4  }
0x209: {  	vm0 =	vlt.f32 v8, v12;
	vm2 =	vlt.f32 v9, v13;
	vm1 =	vge.f32 v9, v7  }
0x20a: {  	vm3 =	vge.f32 v8, v11;
	v7 =	vsel vm1, $0x1, v5;
	v11 =	vsel vm2, $0xFFFFFFFF, v5  }
0x20b: {  	v13 =	vsel vm0, $0xFFFFFFFF, v5;
	v12 =	vsel vm3, $0x1, v5;
	v7 =	vadd.s32 v7, v11  }
0x20c: {  	v11 =	vadd.s32 v12, v13;
	v12 =	vadd.s32 v6, v7  }
.Ltmp7:
0x20d: {  	v6 =	vadd.s32 s13, v0;
	v10 =	vadd.s32 v10, v11;
	vm0 =	vgt.s32 v12, $0x0;
	(pc) =	sbr.rel @p1 .LBB2_8-.Ltmp7, $4  }
0x20e: {  	v7 =	vadd.s32 s13, v4;
	vm1 =	vgt.s32 v10, $0x0;
	v11 =	vnsel vm0, $0x0, v12  }
0x20f: {  	v8 =	vand.u32 $0x7FFFFFFF, v8;
	v10 =	vnsel vm1, $0x0, v10;
	v11 =	vmin.u32 v11, $0x3FF  }
0x210: {  	v9 =	vand.u32 $0x7FFFFFFF, v9;
	v10 =	vmin.u32 v10, $0x3FF;
	v11 =	vshll.u32 v11, $0xA  }
0x211: {  	s13 =	sadd.s32 $0x70, s13;
	vm0 =	vle.f32 v8, $5.120000240e-01;
	vm1 =	vle.f32 v9, $5.120000240e-01;
	v8 =	vor.u32 v10, v11  }
0x212: {  	_ = 	snop  }
0x213: {  	v8 =	vxor.u32 $0xFFC00, v8;
	vm0 =	vmand vm0, vm1;
	s12 =	sadd.s32 $0x10, s12  }
0x214: {  	v8 =	vnsel vm0, $0x100000, v8;
	s13 =	sand.u32 $0x7F0, s12  }
0x215: {  	[tilespmem:s13+$0x7B80] =	vst v8  }
0x216: {  	v6 =	vld.idx.msk [tilespmem:v6+s1+$0x0], $0xffff  }
0x217: {  	v7 =	vld.idx.msk [tilespmem:v7+s1+$0x0], $0xffff;
	_ =	sdelay $0x3  }
0x218: {  	v56 =	vshrl.u32 v6, $0x10  }
0x219: {  	v9 =	vshrl.u32 v7, $0x10;
	v8 =	vand.u32 $0x1, v56  }
0x21a: {  	v57 =	vand.u32 $0x1, v9;
	v6 =	vadd.s32 v8, v6  }
0x21b: {  	v7 =	vadd.s32 v57, v7;
	v6 =	vadd.s32 $0x7FFF, v6  }
0x21c: {  	v7 =	vadd.s32 $0x7FFF, v7;
	v6 =	vand.u32 $0xFFFF0000, v6  }
0x21d: {  	v7 =	vand.u32 $0xFFFF0000, v7;
	v6 =	vadd.f32 $-1.000000050e-03, v6  }
0x21e: {  	v7 =	vadd.f32 $2.000000090e-03, v7  }
0x21f: {  	v58 =	vadd.f32 $5.120000240e-01, v6  }
0x220: {  	v59 =	vadd.f32 $5.120000240e-01, v7  }
0x221: {  	v8 =	vmul.f32 $1.000000000e+03, v58  }
0x222: {  	v9 =	vmul.f32 $1.000000000e+03, v59  }
0x223: {  	v8 =	vmax.f32 v8, $0.0e+00  }
0x224: {  	v9 =	vmax.f32 v9, $0.0e+00;
	v8 =	vmin.f32 v8, $1.023000000e+03  }
0x225: {  	v9 =	vmin.f32 v9, $1.023000000e+03;
	v8 =	vtrunc.f32 v8  }
0x226: {  	v9 =	vtrunc.f32 v9;
	v8 =	vcvt.f32.s32 v8  }
0x227: {  	v9 =	vcvt.f32.s32 v9;
	_ =	sdelay $0x1  }
0x228: {  	v10 =	vadd.s32 $0x1, v9  }
0x229: {  	v11 =	vadd.s32 $0x1, v8;
	_ =	sdelay $0x1  }
0x22a: {  	v12 =	vld.idx.msk [tilespmem:v8+s30+$0x0], $0xffff  }
0x22b: {  	v13 =	vld.idx.msk [tilespmem:v9+s30+$0x0], $0xffff  }
0x22c: {  	v10 =	vld.idx.msk [tilespmem:v10+s30+$0x0], $0xffff  }
0x22d: {  	v11 =	vld.idx.msk [tilespmem:v11+s30+$0x0], $0xffff;
	_ =	sdelay $0x3  }
0x22e: {  	vm10 =	vlt.f32 v6, v12;
	vm2 =	vlt.f32 v7, v13;
	vm11 =	vge.f32 v7, v10  }
0x22f: {  	vm3 =	vge.f32 v6, v11;
	v60 =	vsel vm2, $0xFFFFFFFF, v5;
	v10 =	vsel vm11, $0x1, v5  }
0x230: {  	v62 =	vsel vm10, $0xFFFFFFFF, v5;
	v61 =	vsel vm3, $0x1, v5;
	v10 =	vadd.s32 v10, v60  }
0x231: {  	v63 =	vadd.s32 v61, v62;
	v9 =	vadd.s32 v9, v10  }
0x232: {  	p1 =	seq.s32 s10, $0xE;
	v8 =	vadd.s32 v8, v63;
	vm12 =	vgt.s32 v9, $0x0  }
0x233: {  	s13 =	smul.u32 @!p1 $0xFC0, s10;
	vm13 =	vgt.s32 v8, $0x0;
	v9 =	vnsel vm12, $0x0, v9  }
0x234: {  	s14 =	rddreg [dreg:$0x7];
	v6 =	vand.u32 $0x7FFFFFFF, v6;
	v8 =	vnsel vm13, $0x0, v8;
	v9 =	vmin.u32 v9, $0x3FF  }
0x235: {  	s13 =	sadd.s32 @!p1 s13, s14;
	v7 =	vand.u32 $0x7FFFFFFF, v7;
	v8 =	vmin.u32 v8, $0x3FF;
	v9 =	vshll.u32 v9, $0xA  }
0x236: {  	s13 =	smul.u32 @!p1 $0x7, s13;
	vm14 =	vle.f32 v6, $5.120000240e-01;
	vm15 =	vle.f32 v7, $5.120000240e-01;
	v6 =	vor.u32 v8, v9  }
0x237: {  	s12 =	sadd.s32 $0x10, s12;
	vm0 =	vmand vm14, vm15;
	v6 =	vxor.u32 $0xFFC00, v6  }
0x238: {  	s12 =	sand.u32 $0x7F0, s12;
	s13 =	sshrl.u32 @!p1 s13, $0x3;
	v6 =	vnsel vm0, $0x100000, v6  }
0x239: {  	s14 =	simm.s32 @!p1 $0x3780;
	[tilespmem:s12+$0x7B80] =	vst v6;
	s12 =	sadd.s32 @!p1 s5, s13;
	s13 =	simm.s32 @!p1 $0x0  }
0x23a: {  	[tilespmem:s14], [sflag:$0x2] =	stream.linear.gather @!p1 [hbm4b:s12+s13], $0x3720, $0x38;
	[tilespmem:$0x19408] =	vst v63  }
0x23b: {  	s13 =	simm.s32 $0x7B80  }
0x23c: {  	[spmem:s2] =	stream.indirect.scatter.add.f32 [tilespmem:s8], [sflag:$0x4], $0x1, s13, s4, $0xb8;
	[tilespmem:$0x19408] =	vst v63  }
0x23d: {  	s14 =	simm.s32 $0x7C00  }
0x23e: {  	[spmem:s2] =	stream.indirect.scatter.add.f32 [tilespmem:s8], [sflag:$0x4], $0x1, s14, s4, $0xb8;
	[tilespmem:$0x19408] =	vst v63  }
0x23f: {  	s13 =	simm.s32 $0x7C80  }
0x240: {  	[spmem:s2] =	stream.indirect.scatter.add.f32 [tilespmem:s8], [sflag:$0x4], $0x1, s13, s4, $0xb8;
	[tilespmem:$0x19408] =	vst v63  }
0x241: {  	s14 =	simm.s32 $0x7D00  }
0x242: {  	[spmem:s2] =	stream.indirect.scatter.add.f32 [tilespmem:s8], [sflag:$0x4], $0x1, s14, s4, $0xb8;
	[tilespmem:$0x19408] =	vst v63  }
0x243: {  	s13 =	simm.s32 $0x7D80  }
0x244: {  	[spmem:s2] =	stream.indirect.scatter.add.f32 [tilespmem:s8], [sflag:$0x4], $0x1, s13, s4, $0xb8;
	[tilespmem:$0x19408] =	vst v63  }
0x245: {  	s14 =	simm.s32 $0x7E00  }
0x246: {  	[spmem:s2] =	stream.indirect.scatter.add.f32 [tilespmem:s8], [sflag:$0x4], $0x1, s14, s4, $0xb8;
	[tilespmem:$0x19408] =	vst v63  }
0x247: {  	s13 =	simm.s32 $0x7E80  }
0x248: {  	[spmem:s2] =	stream.indirect.scatter.add.f32 [tilespmem:s8], [sflag:$0x4], $0x1, s13, s4, $0xb8;
	[tilespmem:$0x19408] =	vst v63  }
0x249: {  	s14 =	simm.s32 $0x7F00  }
0x24a: {  	[spmem:s2] =	stream.indirect.scatter.add.f32 [tilespmem:s8], [sflag:$0x4], $0x1, s14, s4, $0xb8;
	[tilespmem:$0x19408] =	vst v63  }
0x24b: {  	s13 =	simm.s32 $0x7F80  }
0x24c: {  	[spmem:s2] =	stream.indirect.scatter.add.f32 [tilespmem:s8], [sflag:$0x4], $0x1, s13, s4, $0xb8;
	[tilespmem:$0x19408] =	vst v63  }
0x24d: {  	s14 =	simm.s32 $0x8000  }
0x24e: {  	[spmem:s2] =	stream.indirect.scatter.add.f32 [tilespmem:s8], [sflag:$0x4], $0x1, s14, s4, $0xb8;
	[tilespmem:$0x19408] =	vst v63  }
0x24f: {  	s13 =	simm.s32 $0x8080  }
0x250: {  	[spmem:s2] =	stream.indirect.scatter.add.f32 [tilespmem:s8], [sflag:$0x4], $0x1, s13, s4, $0xb8;
	[tilespmem:$0x19408] =	vst v63  }
0x251: {  	s14 =	simm.s32 $0x8100  }
0x252: {  	[spmem:s2] =	stream.indirect.scatter.add.f32 [tilespmem:s8], [sflag:$0x4], $0x1, s14, s4, $0xb8;
	[tilespmem:$0x19408] =	vst v63  }
0x253: {  	s13 =	simm.s32 $0x8180  }
0x254: {  	[spmem:s2] =	stream.indirect.scatter.add.f32 [tilespmem:s8], [sflag:$0x4], $0x1, s13, s4, $0xb8;
	[tilespmem:$0x19408] =	vst v63  }
0x255: {  	s14 =	simm.s32 $0x8200  }
0x256: {  	[spmem:s2] =	stream.indirect.scatter.add.f32 [tilespmem:s8], [sflag:$0x4], $0x1, s14, s4, $0xb8;
	[tilespmem:$0x19408] =	vst v63  }
.Ltmp8:
0x257: {  	_ = 	snop;
	(pc) =	sbr.rel .LBB2_10-.Ltmp8, $4  }
0x258: {  	s13 =	simm.s32 $0x8280  }
0x259: {  	[spmem:s2] =	stream.indirect.scatter.add.f32 [tilespmem:s8], [sflag:$0x4], $0x1, s13, s4, $0xb8;
	[tilespmem:$0x19408] =	vst v63  }
0x25a: {  	s14 =	simm.s32 $0x8300  }
0x25b: {  	[spmem:s2] =	stream.indirect.scatter.add.f32 [tilespmem:s8], [sflag:$0x4], $0x1, s14, s4, $0xb8;
	[tilespmem:$0x19408] =	vst v63  }
.LBB2_11:
0x25c: {  	_ =	swait.ge [sflag:s6], $0x80  }
0x25d: {  	[sflag:s6] =	ssyncset.done $0x0  }
0x25e: {  	[sflag:s6] =	ssyncadd.s32 $0xFFFFFF80  }
0x25f: {  	_ =	swait.ge [sflag:s6], $0x80  }
0x260: {  	[sflag:s6] =	ssyncset.done $0x0  }
0x261: {  	[sflag:s6] =	ssyncadd.s32 $0xFFFFFF80  }
0x262: {  	_ =	swait.ge [sflag:s6], $0x80  }
0x263: {  	[sflag:s6] =	ssyncset.done $0x0  }
0x264: {  	[sflag:s6] =	ssyncadd.s32 $0xFFFFFF80  }
0x265: {  	_ =	swait.ge [sflag:s6], $0x80  }
0x266: {  	[sflag:s6] =	ssyncset.done $0x0  }
0x267: {  	[sflag:s6] =	ssyncadd.s32 $0xFFFFFF80  }
0x268: {  	_ =	swait.ge [sflag:s6], $0x80  }
0x269: {  	[sflag:s6] =	ssyncset.done $0x0  }
0x26a: {  	[sflag:s6] =	ssyncadd.s32 $0xFFFFFF80  }
0x26b: {  	_ =	swait.ge [sflag:s6], $0x80  }
0x26c: {  	[sflag:s6] =	ssyncset.done $0x0  }
0x26d: {  	[sflag:s6] =	ssyncadd.s32 $0xFFFFFF80  }
0x26e: {  	_ =	swait.ge [sflag:s6], $0x80  }
0x26f: {  	[sflag:s6] =	ssyncset.done $0x0  }
0x270: {  	[sflag:s6] =	ssyncadd.s32 $0xFFFFFF80  }
0x271: {  	_ =	swait.ge [sflag:s6], $0x80  }
0x272: {  	[sflag:s6] =	ssyncset.done $0x0  }
0x273: {  	[sflag:s6] =	ssyncadd.s32 $0xFFFFFF80  }
0x274: {  	_ =	swait.ge [sflag:s6], $0x80  }
0x275: {  	[sflag:s6] =	ssyncset.done $0x0  }
0x276: {  	[sflag:s6] =	ssyncadd.s32 $0xFFFFFF80  }
0x277: {  	_ =	swait.ge [sflag:s6], $0x80  }
0x278: {  	[sflag:s6] =	ssyncset.done $0x0  }
0x279: {  	[sflag:s6] =	ssyncadd.s32 $0xFFFFFF80  }
0x27a: {  	_ =	swait.ge [sflag:s6], $0x80  }
0x27b: {  	[sflag:s6] =	ssyncset.done $0x0  }
0x27c: {  	[sflag:s6] =	ssyncadd.s32 $0xFFFFFF80  }
0x27d: {  	_ =	swait.ge [sflag:s6], $0x80  }
0x27e: {  	[sflag:s6] =	ssyncset.done $0x0  }
0x27f: {  	[sflag:s6] =	ssyncadd.s32 $0xFFFFFF80  }
0x280: {  	_ =	swait.ge [sflag:s6], $0x80  }
0x281: {  	[sflag:s6] =	ssyncset.done $0x0  }
0x282: {  	[sflag:s6] =	ssyncadd.s32 $0xFFFFFF80  }
0x283: {  	_ =	swait.ge [sflag:s6], $0x80  }
0x284: {  	[sflag:s6] =	ssyncset.done $0x0  }
0x285: {  	[sflag:s6] =	ssyncadd.s32 $0xFFFFFF80  }
0x286: {  	_ =	swait.ge [sflag:s6], $0x80  }
0x287: {  	[sflag:s6] =	ssyncset.done $0x0  }
0x288: {  	[sflag:s6] =	ssyncadd.s32 $0xFFFFFF80  }
0x289: {  	_ =	swait.ge [sflag:s6], $0x80  }
0x28a: {  	[sflag:s6] =	ssyncset.done $0x0  }
0x28b: {  	[sflag:s6] =	ssyncadd.s32 $0xFFFFFF80  }
0x28c: {  	_ =	swait.ge [sflag:s0], $0x80  }
0x28d: {  	[sflag:s0] =	ssyncset.done $0x0  }
0x28e: {  	[sflag:s0] =	ssyncadd.s32 $0xFFFFFF80  }
0x28f: {  	_ =	swait.ge [sflag:s0], $0x80  }
0x290: {  	[sflag:s0] =	ssyncset.done $0x0  }
0x291: {  	[sflag:s0] =	ssyncadd.s32 $0xFFFFFF80  }
0x292: {  	_ =	swait.ge [sflag:s0], $0x80  }
0x293: {  	[sflag:s0] =	ssyncset.done $0x0  }
0x294: {  	[sflag:s0] =	ssyncadd.s32 $0xFFFFFF80  }
0x295: {  	_ =	swait.ge [sflag:s0], $0x80  }
0x296: {  	[sflag:s0] =	ssyncset.done $0x0  }
0x297: {  	[sflag:s0] =	ssyncadd.s32 $0xFFFFFF80  }
0x298: {  	_ =	swait.ge [sflag:s0], $0x80  }
0x299: {  	[sflag:s0] =	ssyncset.done $0x0  }
0x29a: {  	[sflag:s0] =	ssyncadd.s32 $0xFFFFFF80  }
0x29b: {  	_ =	swait.ge [sflag:s0], $0x80  }
0x29c: {  	[sflag:s0] =	ssyncset.done $0x0  }
0x29d: {  	[sflag:s0] =	ssyncadd.s32 $0xFFFFFF80  }
0x29e: {  	_ =	swait.ge [sflag:s0], $0x80  }
0x29f: {  	[sflag:s0] =	ssyncset.done $0x0  }
0x2a0: {  	[sflag:s0] =	ssyncadd.s32 $0xFFFFFF80  }
0x2a1: {  	_ =	swait.ge [sflag:s0], $0x80  }
0x2a2: {  	[sflag:s0] =	ssyncset.done $0x0  }
0x2a3: {  	[sflag:s0] =	ssyncadd.s32 $0xFFFFFF80  }
0x2a4: {  	_ =	swait.ge [sflag:s0], $0x80  }
0x2a5: {  	[sflag:s0] =	ssyncset.done $0x0  }
0x2a6: {  	[sflag:s0] =	ssyncadd.s32 $0xFFFFFF80  }
0x2a7: {  	_ =	swait.ge [sflag:s0], $0x80  }
0x2a8: {  	[sflag:s0] =	ssyncset.done $0x0  }
0x2a9: {  	[sflag:s0] =	ssyncadd.s32 $0xFFFFFF80  }
0x2aa: {  	_ =	swait.ge [sflag:s0], $0x80  }
0x2ab: {  	[sflag:s0] =	ssyncset.done $0x0  }
0x2ac: {  	[sflag:s0] =	ssyncadd.s32 $0xFFFFFF80  }
0x2ad: {  	_ =	swait.ge [sflag:s0], $0x80  }
0x2ae: {  	[sflag:s0] =	ssyncset.done $0x0  }
0x2af: {  	[sflag:s0] =	ssyncadd.s32 $0xFFFFFF80  }
0x2b0: {  	_ =	swait.ge [sflag:s0], $0x80  }
0x2b1: {  	[sflag:s0] =	ssyncset.done $0x0  }
0x2b2: {  	[sflag:s0] =	ssyncadd.s32 $0xFFFFFF80  }
0x2b3: {  	_ =	swait.ge [sflag:s0], $0x80  }
0x2b4: {  	[sflag:s0] =	ssyncset.done $0x0  }
0x2b5: {  	[sflag:s0] =	ssyncadd.s32 $0xFFFFFF80  }
0x2b6: {  	_ =	swait.ge [sflag:s0], $0x80  }
.Ltmp9:
0x2b7: {  	[sflag:s0] =	ssyncset.done $0x0;
	(pc) =	sbr.rel @p0 .LBB2_13-.Ltmp9, $4  }
0x2b8: {  	[sflag:s0] =	ssyncadd.s32 $0xFFFFFF80  }
0x2b9: {  	_ =	swait.ge [sflag:s0], $0x80  }
0x2ba: {  	[sflag:s0] =	ssyncset.done $0x0  }
0x2bb: {  	s29 =	rddreg [dreg:$0x1a];
	[sflag:s0] =	ssyncadd.s32 $0xFFFFFF80  }
0x2bc: {  	s10 =	rddreg [dreg:$0x8]  }
0x2bd: {  	[tilespmem:s3], [sflag:$0x5] =	stream.linear.gather [hbm4b:s10+s3], $0x70, $0x38;
	[tilespmem:$0x19408] =	vst v63  }
0x2be: {  	_ =	swait.ge [sflag:s31], $0x70  }
0x2bf: {  	[sflag:s31] =	ssyncset.done $0x0  }
0x2c0: {  	[sflag:s31] =	ssyncadd.s32 $0xFFFFFF90  }
0x2c1: {  	v6 =	vld.idx.msk [tilespmem:v0+s3+$0x0], $0xffff  }
0x2c2: {  	v7 =	vld.idx.msk [tilespmem:v4+s3+$0x0], $0xffff;
	_ =	sdelay $0x3  }
0x2c3: {  	v8 =	vshrl.u32 v6, $0x10  }
0x2c4: {  	v58 =	vshrl.u32 v7, $0x10;
	v8 =	vand.u32 $0x1, v8  }
0x2c5: {  	v6 =	vadd.s32 v8, v6;
	v8 =	vand.u32 $0x1, v58  }
0x2c6: {  	v6 =	vadd.s32 $0x7FFF, v6;
	v7 =	vadd.s32 v8, v7  }
0x2c7: {  	v6 =	vand.u32 $0xFFFF0000, v6;
	v7 =	vadd.s32 $0x7FFF, v7  }
0x2c8: {  	v6 =	vadd.f32 $-1.000000050e-03, v6;
	v7 =	vand.u32 $0xFFFF0000, v7  }
0x2c9: {  	v7 =	vadd.f32 $2.000000090e-03, v7  }
0x2ca: {  	v59 =	vadd.f32 $5.120000240e-01, v6  }
0x2cb: {  	v9 =	vadd.f32 $5.120000240e-01, v7  }
0x2cc: {  	v8 =	vmul.f32 $1.000000000e+03, v59  }
0x2cd: {  	v9 =	vmul.f32 $1.000000000e+03, v9  }
0x2ce: {  	v8 =	vmax.f32 v8, $0.0e+00  }
0x2cf: {  	v8 =	vmin.f32 v8, $1.023000000e+03;
	v9 =	vmax.f32 v9, $0.0e+00  }
0x2d0: {  	v8 =	vtrunc.f32 v8;
	v9 =	vmin.f32 v9, $1.023000000e+03  }
0x2d1: {  	v8 =	vcvt.f32.s32 v8;
	v9 =	vtrunc.f32 v9  }
0x2d2: {  	v9 =	vcvt.f32.s32 v9;
	_ =	sdelay $0x1  }
0x2d3: {  	v11 =	vadd.s32 $0x1, v9  }
0x2d4: {  	v10 =	vadd.s32 $0x1, v8;
	_ =	sdelay $0x1  }
0x2d5: {  	v13 =	vld.idx.msk [tilespmem:v8+s30+$0x0], $0xffff  }
0x2d6: {  	v12 =	vld.idx.msk [tilespmem:v9+s30+$0x0], $0xffff  }
0x2d7: {  	v11 =	vld.idx.msk [tilespmem:v11+s30+$0x0], $0xffff  }
0x2d8: {  	v10 =	vld.idx.msk [tilespmem:v10+s30+$0x0], $0xffff;
	_ =	sdelay $0x3  }
0x2d9: {  	vm11 =	vlt.f32 v6, v13;
	vm2 =	vlt.f32 v7, v12;
	vm1 =	vge.f32 v7, v11  }
0x2da: {  	vm0 =	vge.f32 v6, v10;
	v61 =	vsel vm2, $0xFFFFFFFF, v5;
	v60 =	vsel vm1, $0x1, v5  }
0x2db: {  	v63 =	vsel vm11, $0xFFFFFFFF, v5;
	v62 =	vsel vm0, $0x1, v5;
	v10 =	vadd.s32 v60, v61  }
0x2dc: {  	v11 =	vadd.s32 v62, v63;
	v9 =	vadd.s32 v9, v10  }
0x2dd: {  	[tilespmem:$0x7390] =	vst v2;
	v8 =	vadd.s32 v8, v11;
	vm12 =	vgt.s32 v9, $0x0  }
0x2de: {  	[tilespmem:$0x73A0] =	vst v2;
	vm13 =	vgt.s32 v8, $0x0;
	v9 =	vnsel vm12, $0x0, v9  }
0x2df: {  	[tilespmem:$0x73B0] =	vst v2;
	v6 =	vand.u32 $0x7FFFFFFF, v6;
	v8 =	vnsel vm13, $0x0, v8;
	v9 =	vmin.u32 v9, $0x3FF  }
0x2e0: {  	[tilespmem:$0x73C0] =	vst v2;
	v7 =	vand.u32 $0x7FFFFFFF, v7;
	v8 =	vmin.u32 v8, $0x3FF;
	v9 =	vshll.u32 v9, $0xA  }
0x2e1: {  	[tilespmem:$0x73D0] =	vst v2;
	vm14 =	vle.f32 v6, $5.120000240e-01;
	vm15 =	vle.f32 v7, $5.120000240e-01;
	v6 =	vor.u32 v8, v9  }
0x2e2: {  	[tilespmem:$0x73E0] =	vst v2;
	vm0 =	vmand vm14, vm15;
	v6 =	vxor.u32 $0xFFC00, v6  }
0x2e3: {  	[tilespmem:$0x73F0] =	vst v2;
	v6 =	vnsel vm0, $0x100000, v6  }
.Ltmp10:
0x2e4: {  	[tilespmem:$0x7380] =	vst v6;
	(pc) =	sbr.rel .LBB2_13-.Ltmp10, $4  }
0x2e5: {  	[spmem:s2] =	stream.indirect.scatter.add.f32 [tilespmem:s8], [sflag:$0x5], $0x1, s7, s4, $0xb8;
	[tilespmem:$0x19408] =	vst v63  }
0x2e6: {  	_ =	swait.ge [sflag:s31], $0x80  }
0x2e7: {  	[sflag:s31] =	ssyncset.done $0x0  }
0x2e8: {  	[sflag:s31] =	ssyncadd.s32 $0xFFFFFF80  }
.LBB2_14:
0x2e9: {  	_ =	sfence.sel $0x180000  }
0x2ea: {  	[bflag:$0x0] =	sbarrier.arrive $0xFFFF  }
0x2eb: {  	_ =	strace $0x90000047  }
0x2ec: {  	s0 =	stileid.u32;
	[bflag:$0x2] =	sbarrier.arrive $0xFFFF  }
0x2ed: {  	p0 =	sne.s32 s0, $0x0;
	s0 =	rddreg [dreg:$0x3]  }
0x2ee: {  	s0 =	sadd.s32 @!p0 $0x100000, s0  }
0x2ef: {  	[sflag:s0] =	ssyncadd.tile.s32 @!p0 $0x1;
	_ =	shalt  }
.Lfunc_end2:
_tile_overlayer_lowered:
.L_overlay_start_2:
0x2f0: {  	(tag) =	ssettag $0x2  }
0x2f1: {  	s0 =	rddreg [dreg:$0x0];
	s2 =	stileid.u32  }
0x2f2: {  	s1 =	rddreg [dreg:$0x1];
	p0 =	sne.s32 s2, $0x0  }
0x2f3: {  	s3 =	rddreg [dreg:$0x2];
	[bflag:$0x3] =	sbarrier.arrive $0xFFFF;
	s2 =	simm.s32 @!p0 $0x1C05  }
0x2f4: {  	[timem:s3], [sflag:s2] =	dma.local @!p0 [hbm:s0], s1  }
0x2f5: {  	s0 =	simm.s32 @!p0 $0x5  }
0x2f6: {  	_ =	swait.ge @!p0 [sflag:s0], s1  }
0x2f7: {  	s1 =	ssub.s32 @!p0 $0x0, s1;
	[sflag:s0] =	ssyncset.done @!p0 $0x0  }
0x2f8: {  	[sflag:s0] =	ssyncadd.s32 @!p0 s1  }
0x2f9: {  	[bflag:$0x3] =	sbarrier.arrive $0xFFFF  }
0x2fa: {  	_ =	shalt  }

</sc_bundles>
